<compile_context>
chip_gen: v7x
topology: tpu7x:2x2x1
jax: 0.10.2.dev20260603
libtpu: 0.0.44.dev20260713+nightly
codegen_flags: <defaults>
</compile_context>

<pallas_src>
from math import sqrt

import jax
import jax.numpy as jnp
import numpy as np
from jax import lax
from jax.experimental import pallas as pl
from jax.experimental.pallas import tpu as pltpu
from jax.experimental.pallas import tpu_sc as plsc

_MAPS_SIZE = [38, 19, 10, 5, 3, 1]
_NUM_ANCHORS = [4, 6, 6, 6, 4, 4]
_RATIOS = [1.0, 2.0, 0.5, 3.0, 1.0 / 3.0]
_SCALE_NEG = 3


def _dbox_scale(k, m=6, smin=0.2, smax=0.9):
    return smin + (smax - smin) * (k - 1) / (m - 1)


def _default_box_np():
    m = 6
    scales = [_dbox_scale(k) for k in range(1, m + 2)]
    scales_hat = [sqrt(scales[k] * scales[k + 1]) for k in range(m)]
    boxes = []
    for k in range(m):
        size = _MAPS_SIZE[k]
        coords = (np.arange(size, dtype=np.float32) + 0.5) / size
        cx = np.tile(coords[None, :], (size, 1)).reshape(-1)
        cy = np.tile(coords[:, None], (1, size)).reshape(-1)
        for idx in range(_NUM_ANCHORS[k] - 1):
            w = np.full_like(cx, scales[k] * sqrt(_RATIOS[idx]))
            h = np.full_like(cx, scales[k] / sqrt(_RATIOS[idx]))
            boxes.append(np.stack([cx, cy, w, h], axis=0))
        s = scales_hat[k]
        boxes.append(np.stack([cx, cy, np.full_like(cx, s), np.full_like(cx, s)], axis=0))
    return np.concatenate(boxes, axis=1).astype(np.float32)


_DB = _default_box_np()
_A = _DB.shape[1]

_Z = np.zeros_like(_DB[0])
_O = np.ones_like(_DB[0])
_DB_PACK = np.stack(
    [
        _DB[0] - _DB[2] / 2, _DB[1] - _DB[3] / 2,
        _DB[0] + _DB[2] / 2, _DB[1] + _DB[3] / 2,
        _DB[2] * _DB[3] + 1e-9,
        _DB[0], _DB[1], _Z, _Z,
        1.0 / _DB[2], 1.0 / _DB[3], _O, _O,
        _Z, _Z, -np.log(_DB[2]), -np.log(_DB[3]),
    ],
    axis=0,
).astype(np.float32)
_THIRD = np.float32(1.0 / 3.0)


_BPP = 4


def _phase1_kernel(db_ref, y_ref, tb_ref, tbt_ref, lab_ref, keys_ref, part_ref, np_ref):
    b = pl.program_id(0)

    def one_batch(i):
        return _one_batch(db_ref, y_ref, tb_ref, tbt_ref, lab_ref, keys_ref, i)

    part_b, num_pos_b = one_batch(0)
    for i in range(1, _BPP):
        p, n = one_batch(i)
        part_b = part_b + p
        num_pos_b = num_pos_b + n

    @pl.when(b == 0)
    def _():
        part_ref[0] = part_b
        np_ref[0] = num_pos_b

    @pl.when(b != 0)
    def _():
        part_ref[0] = part_ref[0] + part_b
        np_ref[0] = np_ref[0] + num_pos_b


def _one_batch(db_ref, y_ref, tb_ref, tbt_ref, lab_ref, keys_ref, i):
    db_l = db_ref[0:1, :]
    db_t = db_ref[1:2, :]
    db_r = db_ref[2:3, :]
    db_b = db_ref[3:4, :]
    db_area = db_ref[4:5, :]

    tbt = tbt_ref[i]
    gcx = tbt[:, 0:1]
    gcy = tbt[:, 1:2]
    gw = tbt[:, 2:3]
    gh = tbt[:, 3:4]
    gl = gcx - gw * 0.5
    gt = gcy - gh * 0.5
    gr = gcx + gw * 0.5
    gb = gcy + gh * 0.5
    g_area = gw * gh

    il = jnp.maximum(gl, db_l)
    it = jnp.maximum(gt, db_t)
    ir = jnp.minimum(gr, db_r)
    ib = jnp.minimum(gb, db_b)
    inter = jnp.maximum(ir - il, 0.0) * jnp.maximum(ib - it, 0.0)
    r = inter / (g_area + db_area)

    genc = 31 - jax.lax.broadcasted_iota(jnp.int32, (32, 1), 0)
    ki = (jax.lax.bitcast_convert_type(r, jnp.int32) & jnp.int32(~31)) | genc
    best = jnp.max(ki, axis=0, keepdims=True)

    pos = jax.lax.bitcast_convert_type(best & jnp.int32(~31), jnp.float32) > _THIRD
    posf = pos.astype(jnp.float32)
    num_pos_b = jnp.sum(pos.astype(jnp.int32))

    maskf = (ki == best).astype(jnp.float32)
    tb = tb_ref[i]
    logw = jnp.log(tb[2:3, :])
    logh = jnp.log(tb[3:4, :])
    labf = lab_ref[i]
    zeros3 = jnp.zeros((3, 32), jnp.float32)
    stacked = jnp.concatenate([tb[0:1], tb[1:2], logw, logh, labf, zeros3], axis=0)
    mm = jax.lax.dot_general(
        stacked, maskf, (((1,), (0,)), ((), ())),
        preferred_element_type=jnp.float32,
    )
    blab = mm[4:5]

    gh = (mm[0:4] - db_ref[5:9, :]) * db_ref[9:13, :] + db_ref[13:17, :]
    d = y_ref[i, 0:4, :] - gh
    ad = jnp.abs(d)
    sl1 = jnp.where(ad < 1.0, 0.5 * d * d, ad - 0.5)
    loc_loss = jnp.sum(sl1 * posf)

    cls = y_ref[i, 4:25, :]
    m = jnp.max(cls, axis=0, keepdims=True)
    s = jnp.sum(jnp.exp(cls - m), axis=0, keepdims=True)
    lse = m + jnp.log(s)

    ciota = jax.lax.broadcasted_iota(jnp.int32, (21, 1), 0).astype(jnp.float32)
    chmask = (blab == ciota).astype(jnp.float32) * posf
    sel_sum = jnp.sum(chmask * cls)
    pos_loss = jnp.sum(lse * posf) - sel_sum

    neg = lse - y_ref[i, 4:5, :]
    keys = jnp.where(pos, jnp.int32(-1), jax.lax.bitcast_convert_type(neg, jnp.int32))
    keys_ref[i] = keys

    return loc_loss + pos_loss, num_pos_b



_NB = 32768
_SC_TILES = 32


def _sc_hist_kernel(keys_hbm, cnt_hbm, sum_hbm, chunk_v, hcnt_v, hsum_v, sem):
    wid = lax.axis_index("s") * 2 + lax.axis_index("c")
    chunk = keys_hbm.shape[0] // _SC_TILES
    cp = pltpu.async_copy(keys_hbm.at[pl.ds(wid * chunk, chunk)], chunk_v, sem)

    zi = jnp.zeros((16,), jnp.int32)
    zf = jnp.zeros((16,), jnp.float32)

    def zbody(j, c):
        hcnt_v[pl.ds(j * 16, 16)] = zi
        hsum_v[pl.ds(j * 16, 16)] = zf
        return c

    lax.fori_loop(0, _NB // 16, zbody, 0, unroll=8)
    cp.wait()

    ones = jnp.ones((16,), jnp.int32)

    def body(j, c):
        k16 = chunk_v[pl.ds(j * 16, 16)]
        msk = k16 >= 0
        bkt = lax.shift_right_logical(jnp.maximum(k16, 0), 16)
        plsc.addupdate_scatter(hcnt_v, [bkt], ones, mask=msk)
        plsc.addupdate_scatter(hsum_v, [bkt], plsc.bitcast(k16, jnp.float32), mask=msk)
        return c

    lax.fori_loop(0, chunk // 16, body, 0, unroll=16)

    pltpu.sync_copy(hcnt_v, cnt_hbm.at[wid])
    pltpu.sync_copy(hsum_v, sum_hbm.at[wid])


def _phase3_kernel(cnt_ref, sum_ref, part_ref, np_ref, out_ref):
    total = 128 * _A
    npos = np_ref[0]
    k = jnp.maximum(jnp.minimum(npos * _SCALE_NEG, total - npos), 1)

    cnt = jnp.sum(cnt_ref[...], axis=0, keepdims=True)
    msum = jnp.sum(sum_ref[...], axis=0, keepdims=True)
    liota = lax.broadcasted_iota(jnp.int32, (1, _NB), 1)

    def body(i, cur):
        t = cur + (jnp.int32(1) << (14 - i))
        s = jnp.sum(jnp.where(liota >= t, cnt, 0))
        return jnp.where(s >= k, t, cur)

    bstar = lax.fori_loop(0, 15, body, jnp.int32(0))

    cnt_above = jnp.sum(jnp.where(liota > bstar, cnt, 0))
    sum_above = jnp.sum(jnp.where(liota > bstar, msum, 0.0))
    edge = lax.bitcast_convert_type(bstar << 16, jnp.float32)
    neg_loss = sum_above + (k - cnt_above).astype(jnp.float32) * edge
    out_ref[0] = part_ref[0] + neg_loss


def _phase1_call(db, yp, tb, tbt, labf):
    Bh = yp.shape[0]
    A = yp.shape[2]
    return pl.pallas_call(
        _phase1_kernel,
        grid=(Bh // _BPP,),
        in_specs=[
            pl.BlockSpec((_DB_PACK.shape[0], A), lambda b: (0, 0)),
            pl.BlockSpec((_BPP, 25, A), lambda b: (b, 0, 0)),
            pl.BlockSpec((_BPP, 4, 32), lambda b: (b, 0, 0)),
            pl.BlockSpec((_BPP, 32, 4), lambda b: (b, 0, 0)),
            pl.BlockSpec((_BPP, 1, 32), lambda b: (b, 0, 0)),
        ],
        out_specs=[
            pl.BlockSpec((_BPP, 1, A), lambda b: (b, 0, 0)),
            pl.BlockSpec(memory_space=pltpu.SMEM),
            pl.BlockSpec(memory_space=pltpu.SMEM),
        ],
        out_shape=[
            jax.ShapeDtypeStruct((Bh, 1, A), jnp.int32),
            jax.ShapeDtypeStruct((1,), jnp.float32),
            jax.ShapeDtypeStruct((1,), jnp.int32),
        ],
    )(db, yp, tb, tbt, labf)


def _sc_hist_call(keys_flat):
    n = keys_flat.shape[0]
    sc_hist = pl.kernel(
        _sc_hist_kernel,
        mesh=plsc.VectorSubcoreMesh(core_axis_name="c", subcore_axis_name="s"),
        out_type=[
            jax.ShapeDtypeStruct((_SC_TILES, _NB), jnp.int32),
            jax.ShapeDtypeStruct((_SC_TILES, _NB), jnp.float32),
        ],
        scratch_types=[
            pltpu.VMEM((n // _SC_TILES,), jnp.int32),
            pltpu.VMEM((_NB,), jnp.int32),
            pltpu.VMEM((_NB,), jnp.float32),
            pltpu.SemaphoreType.DMA,
        ],
        compiler_params=pltpu.CompilerParams(needs_layout_passes=False),
    )
    return sc_hist(keys_flat)


def kernel(y_pred, true_boxes, true_labels):
    B, _, A = y_pred.shape
    db = jnp.asarray(_DB_PACK)
    tbt = jnp.transpose(true_boxes, (0, 2, 1))
    labf = true_labels.astype(jnp.float32).reshape(B, 1, 32)

    keys, part, npos = _phase1_call(db, y_pred, true_boxes, tbt, labf)
    cnt, vsum = _sc_hist_call(keys.reshape(B * A))

    out = pl.pallas_call(
        _phase3_kernel,
        in_specs=[
            pl.BlockSpec((_SC_TILES, _NB), lambda: (0, 0)),
            pl.BlockSpec((_SC_TILES, _NB), lambda: (0, 0)),
            pl.BlockSpec(memory_space=pltpu.SMEM),
            pl.BlockSpec(memory_space=pltpu.SMEM),
        ],
        out_specs=pl.BlockSpec(memory_space=pltpu.SMEM),
        out_shape=jax.ShapeDtypeStruct((1,), jnp.float32),
    )(cnt, vsum, part, npos)

    return out[0]

# --- scband reference (transcript-rebuilt; emitter-appended) ---
"""Pipeline reference for scband-ssdloss-82411832476091 (READ-ONLY COPY).

The authoritative reference and input builder live on the scoring server;
editing this copy changes nothing except your own understanding.
"""

import jax, jax.numpy as jnp
import numpy as np
from math import sqrt

g_maps_size = [38, 19, 10, 5, 3, 1]
g_num_anchors = [4, 6, 6, 6, 4, 4]
g_ratios = [1.0, 2.0, 0.5, 3.0, 1.0 / 3.0]
THRESHOLD = 0.5
SCALE_NEG = 3


def _get_scale(k, m=6, smin=0.2, smax=0.9):
    return smin + (smax - smin) * (k - 1) / (m - 1)


def _default_box_np():
    m = 6
    scales = [_get_scale(k) for k in range(1, m + 2)]
    scales_hat = [sqrt(scales[k] * scales[k + 1]) for k in range(m)]
    boxes = []
    for k in range(m):
        size = g_maps_size[k]
        coords = (np.arange(size, dtype=np.float32) + 0.5) / size
        cx = np.tile(coords[None, :], (size, 1)).reshape(-1)
        cy = np.tile(coords[:, None], (1, size)).reshape(-1)
        for idx in range(g_num_anchors[k] - 1):
            w = np.full_like(cx, scales[k] * sqrt(g_ratios[idx]))
            h = np.full_like(cx, scales[k] / sqrt(g_ratios[idx]))
            boxes.append(np.stack([cx, cy, w, h], axis=0))
        s = scales_hat[k]
        boxes.append(np.stack([cx, cy, np.full_like(cx, s), np.full_like(cx, s)], axis=0))
    return np.concatenate(boxes, axis=1).astype(np.float32)


DEFAULT_BOX = _default_box_np()  # [4, 8732] in (cx, cy, w, h)


def _xywh2ltrb(b):
    cx = b[..., 0, :]
    cy = b[..., 1, :]
    w = b[..., 2, :]
    h = b[..., 3, :]
    return jnp.stack([cx - w / 2, cy - h / 2, cx + w / 2, cy + h / 2], axis=-2)


def _smooth_l1(d):
    ad = jnp.abs(d)
    return jnp.where(ad < 1.0, 0.5 * d * d, ad - 0.5)


def _match(true_boxes):
    db = jnp.asarray(DEFAULT_BOX)
    db_ltrb = _xywh2ltrb(db)
    gt_ltrb = _xywh2ltrb(true_boxes)  # [B, 4, G]
    l = jnp.maximum(gt_ltrb[:, 0, :, None], db_ltrb[0][None, None, :])
    t = jnp.maximum(gt_ltrb[:, 1, :, None], db_ltrb[1][None, None, :])
    r = jnp.minimum(gt_ltrb[:, 2, :, None], db_ltrb[2][None, None, :])
    btm = jnp.minimum(gt_ltrb[:, 3, :, None], db_ltrb[3][None, None, :])
    inter = jnp.clip(r - l, 0.0) * jnp.clip(btm - t, 0.0)
    area_g = (true_boxes[:, 2, :] * true_boxes[:, 3, :])[:, :, None]
    area_d = (db[2] * db[3])[None, None, :]
    iou = inter / (area_g + area_d - inter + 1e-9)  # [B, G, A]
    best_iou = jnp.max(iou, axis=1)   # [B, A]
    best_gt = jnp.argmax(iou, axis=1)  # [B, A]
    pos = best_iou > THRESHOLD
    return pos, best_gt


def _ssd_loss(y_pred, true_boxes, true_labels, pos, best_gt, k_neg):
    db = jnp.asarray(DEFAULT_BOX)
    B = y_pred.shape[0]
    A = y_pred.shape[2]
    idx4 = jnp.broadcast_to(best_gt[:, None, :], (B, 4, A))
    matched = jnp.take_along_axis(true_boxes, idx4, axis=2)  # [B, 4, A]
    g_hat_xy = (matched[:, :2, :] - db[None, :2, :]) / db[None, 2:, :]
    g_hat_wh = jnp.log(matched[:, 2:, :] / db[None, 2:, :])
    g_hat = jnp.concatenate([g_hat_xy, g_hat_wh], axis=1)
    posf = pos.astype(y_pred.dtype)
    loc_loss = jnp.sum(_smooth_l1(y_pred[:, :4, :] - g_hat) * posf[:, None, :])
    logp = jax.nn.log_softmax(y_pred[:, 4:, :], axis=1)  # [B, 21, A]
    matched_lab = jnp.take_along_axis(true_labels, best_gt, axis=1)  # [B, A]
    conf_pos = -jnp.take_along_axis(logp, matched_lab[:, None, :], axis=1)[:, 0, :]
    pos_loss = jnp.sum(conf_pos * posf)
    neg_score = jnp.where(pos, -1e30, -logp[:, 0, :]).reshape(-1)
    sorted_neg = jnp.sort(neg_score)[::-1]
    ranks = jnp.arange(sorted_neg.size)
    neg_loss = jnp.sum(jnp.where(ranks < k_neg, sorted_neg, jnp.zeros_like(sorted_neg)))
    return loc_loss + pos_loss + neg_loss


def setup_inputs(seed: int = 0):
    key = jax.random.key(seed)
    k1, k2, k3, k4 = jax.random.split(key, 4)
    B = 128
    A = DEFAULT_BOX.shape[1]
    G = 32
    y_pred = jax.random.normal(k1, (B, 25, A), dtype=jnp.float32)
    xy = jax.random.uniform(k2, (B, 2, G), dtype=jnp.float32, minval=0.05, maxval=0.95)
    wh = jax.random.uniform(k3, (B, 2, G), dtype=jnp.float32, minval=0.12, maxval=0.7)
    true_boxes = jnp.concatenate([xy, wh], axis=1)
    true_labels = jax.random.randint(k4, (B, G), 1, 21)
    return {"y_pred": y_pred, "true_boxes": true_boxes, "true_labels": true_labels}


def reference(y_pred, true_boxes, true_labels):
    pos, best_gt = _match(true_boxes)
    num_pos = jnp.sum(pos)
    total = pos.size
    k_neg = jnp.maximum(jnp.minimum(num_pos * SCALE_NEG, total - num_pos), 1)
    return _ssd_loss(y_pred, true_boxes, true_labels, pos, best_gt, k_neg)

if __name__ == "__main__":
    import jax
    _d = setup_inputs()
    print(jax.jit(kernel)(*tuple(_d.values())))

</pallas_src>

<mosaic_0001>
#map = affine_map<(d0, d1) -> (0)>
#map1 = affine_map<(d0, d1) -> (0, 0)>
module attributes {stable_mosaic.version = 14 : i64} {
  func.func @_sc_hist_kernel(%arg0: i32, %arg1: i32, %arg2: memref<1117696xi32, #tpu.memory_space<hbm>>, %arg3: memref<32x32768xi32, #tpu.memory_space<hbm>>, %arg4: memref<32x32768xf32, #tpu.memory_space<hbm>>, %arg5: memref<34928xi32, #tpu.memory_space<vmem>>, %arg6: memref<32768xi32, #tpu.memory_space<vmem>>, %arg7: memref<32768xf32, #tpu.memory_space<vmem>>, %arg8: memref<!tpu.dma_semaphore, #tpu.memory_space<semaphore_mem>>) attributes {dimension_semantics = [#tpu.dimension_semantics<core_parallel>, #tpu.dimension_semantics<subcore_parallel>], iteration_bounds = array<i64: 2, 16>, scalar_prefetch = 0 : i64, scratch_operands = 4 : i64, tpu.core_type = #tpu.core_type<sc_vector_subcore>, window_params = [{transform_indices = #map}, {transform_indices = #map1}, {transform_indices = #map1}]} {
    %mul3A = arith.constant 2 : i32
    %mul3A_0 = arith.muli %arg1, %mul3A : i32
    %add3A = arith.addi %mul3A_0, %arg0 : i32
    %mul3A_1 = arith.constant 34928 : i32
    %mul3A_2 = arith.muli %add3A, %mul3A_1 : i32
    %dma_start3A = tpu.memref_slice %arg2[%mul3A_2] : memref<1117696xi32, #tpu.memory_space<hbm>> -> memref<34928xi32, #tpu.memory_space<hbm>>
    %dma_start3A_3 = tpu.memref_slice %arg2[%mul3A_2] : memref<1117696xi32, #tpu.memory_space<hbm>> -> memref<34928xi32, #tpu.memory_space<hbm>>
    tpu.enqueue_dma source(%dma_start3A_3 : memref<34928xi32, #tpu.memory_space<hbm>>) target(%arg5 : memref<34928xi32, #tpu.memory_space<vmem>>) target_semaphore(%arg8 : memref<!tpu.dma_semaphore, #tpu.memory_space<semaphore_mem>>)
    %broadcast_in_dim3A = arith.constant 0 : i32
    %broadcast_in_dim3A_4 = vector.broadcast %broadcast_in_dim3A : i32 to vector<16xi32>
    %broadcast_in_dim3A_5 = arith.constant 0.000000e+00 : f32
    %broadcast_in_dim3A_6 = vector.broadcast %broadcast_in_dim3A_5 : f32 to vector<16xf32>
    %scan3A = arith.constant 0 : i32
    %scan3A_7 = arith.constant 0 : i32
    %scan3A_8 = arith.constant 2048 : i32
    %scan3A_9 = arith.addi %scan3A_7, %scan3A_8 : i32
    %scan3A_10 = arith.constant 8 : i32
    scf.for %scan3A_128 = %scan3A_7 to %scan3A_9 step %scan3A_10  : i32 {
      %mul3A_129 = arith.constant 16 : i32
      %mul3A_130 = arith.muli %scan3A_128, %mul3A_129 : i32
      %swap3A = arith.index_cast %mul3A_130 : i32 to index
      %swap3A_131 = tpu.vector_load %arg6[%swap3A] {strides = array<i32>} : memref<32768xi32, #tpu.memory_space<vmem>>, vector<16xi32>,
      tpu.vector_store %arg6[%swap3A], %broadcast_in_dim3A_4 {strides = array<i32>} : memref<32768xi32, #tpu.memory_space<vmem>>, vector<16xi32>,
      %mul3A_132 = arith.constant 16 : i32
      %mul3A_133 = arith.muli %scan3A_128, %mul3A_132 : i32
      %swap3A_134 = arith.index_cast %mul3A_133 : i32 to index
      %swap3A_135 = tpu.vector_load %arg7[%swap3A_134] {strides = array<i32>} : memref<32768xf32, #tpu.memory_space<vmem>>, vector<16xf32>,
      tpu.vector_store %arg7[%swap3A_134], %broadcast_in_dim3A_6 {strides = array<i32>} : memref<32768xf32, #tpu.memory_space<vmem>>, vector<16xf32>,
      %scan3A_136 = arith.constant 1 : i32
      %scan3A_137 = arith.addi %scan3A_128, %scan3A_136 : i32
      %mul3A_138 = arith.constant 16 : i32
      %mul3A_139 = arith.muli %scan3A_137, %mul3A_138 : i32
      %swap3A_140 = arith.index_cast %mul3A_139 : i32 to index
      %swap3A_141 = tpu.vector_load %arg6[%swap3A_140] {strides = array<i32>} : memref<32768xi32, #tpu.memory_space<vmem>>, vector<16xi32>,
      tpu.vector_store %arg6[%swap3A_140], %broadcast_in_dim3A_4 {strides = array<i32>} : memref<32768xi32, #tpu.memory_space<vmem>>, vector<16xi32>,
      %mul3A_142 = arith.constant 16 : i32
      %mul3A_143 = arith.muli %scan3A_137, %mul3A_142 : i32
      %swap3A_144 = arith.index_cast %mul3A_143 : i32 to index
      %swap3A_145 = tpu.vector_load %arg7[%swap3A_144] {strides = array<i32>} : memref<32768xf32, #tpu.memory_space<vmem>>, vector<16xf32>,
      tpu.vector_store %arg7[%swap3A_144], %broadcast_in_dim3A_6 {strides = array<i32>} : memref<32768xf32, #tpu.memory_space<vmem>>, vector<16xf32>,
      %scan3A_146 = arith.constant 2 : i32
      %scan3A_147 = arith.addi %scan3A_128, %scan3A_146 : i32
      %mul3A_148 = arith.constant 16 : i32
      %mul3A_149 = arith.muli %scan3A_147, %mul3A_148 : i32
      %swap3A_150 = arith.index_cast %mul3A_149 : i32 to index
      %swap3A_151 = tpu.vector_load %arg6[%swap3A_150] {strides = array<i32>} : memref<32768xi32, #tpu.memory_space<vmem>>, vector<16xi32>,
      tpu.vector_store %arg6[%swap3A_150], %broadcast_in_dim3A_4 {strides = array<i32>} : memref<32768xi32, #tpu.memory_space<vmem>>, vector<16xi32>,
      %mul3A_152 = arith.constant 16 : i32
      %mul3A_153 = arith.muli %scan3A_147, %mul3A_152 : i32
      %swap3A_154 = arith.index_cast %mul3A_153 : i32 to index
      %swap3A_155 = tpu.vector_load %arg7[%swap3A_154] {strides = array<i32>} : memref<32768xf32, #tpu.memory_space<vmem>>, vector<16xf32>,
      tpu.vector_store %arg7[%swap3A_154], %broadcast_in_dim3A_6 {strides = array<i32>} : memref<32768xf32, #tpu.memory_space<vmem>>, vector<16xf32>,
      %scan3A_156 = arith.constant 3 : i32
      %scan3A_157 = arith.addi %scan3A_128, %scan3A_156 : i32
      %mul3A_158 = arith.constant 16 : i32
      %mul3A_159 = arith.muli %scan3A_157, %mul3A_158 : i32
      %swap3A_160 = arith.index_cast %mul3A_159 : i32 to index
      %swap3A_161 = tpu.vector_load %arg6[%swap3A_160] {strides = array<i32>} : memref<32768xi32, #tpu.memory_space<vmem>>, vector<16xi32>,
      tpu.vector_store %arg6[%swap3A_160], %broadcast_in_dim3A_4 {strides = array<i32>} : memref<32768xi32, #tpu.memory_space<vmem>>, vector<16xi32>,
      %mul3A_162 = arith.constant 16 : i32
      %mul3A_163 = arith.muli %scan3A_157, %mul3A_162 : i32
      %swap3A_164 = arith.index_cast %mul3A_163 : i32 to index
      %swap3A_165 = tpu.vector_load %arg7[%swap3A_164] {strides = array<i32>} : memref<32768xf32, #tpu.memory_space<vmem>>, vector<16xf32>,
      tpu.vector_store %arg7[%swap3A_164], %broadcast_in_dim3A_6 {strides = array<i32>} : memref<32768xf32, #tpu.memory_space<vmem>>, vector<16xf32>,
      %scan3A_166 = arith.constant 4 : i32
      %scan3A_167 = arith.addi %scan3A_128, %scan3A_166 : i32
      %mul3A_168 = arith.constant 16 : i32
      %mul3A_169 = arith.muli %scan3A_167, %mul3A_168 : i32
      %swap3A_170 = arith.index_cast %mul3A_169 : i32 to index
      %swap3A_171 = tpu.vector_load %arg6[%swap3A_170] {strides = array<i32>} : memref<32768xi32, #tpu.memory_space<vmem>>, vector<16xi32>,
      tpu.vector_store %arg6[%swap3A_170], %broadcast_in_dim3A_4 {strides = array<i32>} : memref<32768xi32, #tpu.memory_space<vmem>>, vector<16xi32>,
      %mul3A_172 = arith.constant 16 : i32
      %mul3A_173 = arith.muli %scan3A_167, %mul3A_172 : i32
      %swap3A_174 = arith.index_cast %mul3A_173 : i32 to index
      %swap3A_175 = tpu.vector_load %arg7[%swap3A_174] {strides = array<i32>} : memref<32768xf32, #tpu.memory_space<vmem>>, vector<16xf32>,
      tpu.vector_store %arg7[%swap3A_174], %broadcast_in_dim3A_6 {strides = array<i32>} : memref<32768xf32, #tpu.memory_space<vmem>>, vector<16xf32>,
      %scan3A_176 = arith.constant 5 : i32
      %scan3A_177 = arith.addi %scan3A_128, %scan3A_176 : i32
      %mul3A_178 = arith.constant 16 : i32
      %mul3A_179 = arith.muli %scan3A_177, %mul3A_178 : i32
      %swap3A_180 = arith.index_cast %mul3A_179 : i32 to index
      %swap3A_181 = tpu.vector_load %arg6[%swap3A_180] {strides = array<i32>} : memref<32768xi32, #tpu.memory_space<vmem>>, vector<16xi32>,
      tpu.vector_store %arg6[%swap3A_180], %broadcast_in_dim3A_4 {strides = array<i32>} : memref<32768xi32, #tpu.memory_space<vmem>>, vector<16xi32>,
      %mul3A_182 = arith.constant 16 : i32
      %mul3A_183 = arith.muli %scan3A_177, %mul3A_182 : i32
      %swap3A_184 = arith.index_cast %mul3A_183 : i32 to index
      %swap3A_185 = tpu.vector_load %arg7[%swap3A_184] {strides = array<i32>} : memref<32768xf32, #tpu.memory_space<vmem>>, vector<16xf32>,
      tpu.vector_store %arg7[%swap3A_184], %broadcast_in_dim3A_6 {strides = array<i32>} : memref<32768xf32, #tpu.memory_space<vmem>>, vector<16xf32>,
      %scan3A_186 = arith.constant 6 : i32
      %scan3A_187 = arith.addi %scan3A_128, %scan3A_186 : i32
      %mul3A_188 = arith.constant 16 : i32
      %mul3A_189 = arith.muli %scan3A_187, %mul3A_188 : i32
      %swap3A_190 = arith.index_cast %mul3A_189 : i32 to index
      %swap3A_191 = tpu.vector_load %arg6[%swap3A_190] {strides = array<i32>} : memref<32768xi32, #tpu.memory_space<vmem>>, vector<16xi32>,
      tpu.vector_store %arg6[%swap3A_190], %broadcast_in_dim3A_4 {strides = array<i32>} : memref<32768xi32, #tpu.memory_space<vmem>>, vector<16xi32>,
      %mul3A_192 = arith.constant 16 : i32
      %mul3A_193 = arith.muli %scan3A_187, %mul3A_192 : i32
      %swap3A_194 = arith.index_cast %mul3A_193 : i32 to index
      %swap3A_195 = tpu.vector_load %arg7[%swap3A_194] {strides = array<i32>} : memref<32768xf32, #tpu.memory_space<vmem>>, vector<16xf32>,
      tpu.vector_store %arg7[%swap3A_194], %broadcast_in_dim3A_6 {strides = array<i32>} : memref<32768xf32, #tpu.memory_space<vmem>>, vector<16xf32>,
      %scan3A_196 = arith.constant 7 : i32
      %scan3A_197 = arith.addi %scan3A_128, %scan3A_196 : i32
      %mul3A_198 = arith.constant 16 : i32
      %mul3A_199 = arith.muli %scan3A_197, %mul3A_198 : i32
      %swap3A_200 = arith.index_cast %mul3A_199 : i32 to index
      %swap3A_201 = tpu.vector_load %arg6[%swap3A_200] {strides = array<i32>} : memref<32768xi32, #tpu.memory_space<vmem>>, vector<16xi32>,
      tpu.vector_store %arg6[%swap3A_200], %broadcast_in_dim3A_4 {strides = array<i32>} : memref<32768xi32, #tpu.memory_space<vmem>>, vector<16xi32>,
      %mul3A_202 = arith.constant 16 : i32
      %mul3A_203 = arith.muli %scan3A_197, %mul3A_202 : i32
      %swap3A_204 = arith.index_cast %mul3A_203 : i32 to index
      %swap3A_205 = tpu.vector_load %arg7[%swap3A_204] {strides = array<i32>} : memref<32768xf32, #tpu.memory_space<vmem>>, vector<16xf32>,
      tpu.vector_store %arg7[%swap3A_204], %broadcast_in_dim3A_6 {strides = array<i32>} : memref<32768xf32, #tpu.memory_space<vmem>>, vector<16xf32>,
    }
    %scan3A_11 = arith.constant 2048 : i32
    %dma_wait3A = tpu.memref_slice %arg2[%mul3A_2] : memref<1117696xi32, #tpu.memory_space<hbm>> -> memref<34928xi32, #tpu.memory_space<hbm>>
    %dma_wait3A_12 = tpu.memref_slice %arg2[%mul3A_2] : memref<1117696xi32, #tpu.memory_space<hbm>> -> memref<34928xi32, #tpu.memory_space<hbm>>
    tpu.wait_dma2 semaphore(%arg8 : memref<!tpu.dma_semaphore, #tpu.memory_space<semaphore_mem>>) src(%dma_wait3A_12 : memref<34928xi32, #tpu.memory_space<hbm>>) dst(%arg5 : memref<34928xi32, #tpu.memory_space<vmem>>)
    %broadcast_in_dim3A_13 = arith.constant 1 : i32
    %broadcast_in_dim3A_14 = vector.broadcast %broadcast_in_dim3A_13 : i32 to vector<16xi32>
    %scan3A_15 = arith.constant 0 : i32
    %scan3A_16 = arith.constant 0 : i32
    %scan3A_17 = arith.constant 2176 : i32
    %scan3A_18 = arith.addi %scan3A_16, %scan3A_17 : i32
    %scan3A_19 = arith.constant 16 : i32
    scf.for %scan3A_128 = %scan3A_16 to %scan3A_18 step %scan3A_19  : i32 {
      %mul3A_129 = arith.constant 16 : i32
      %mul3A_130 = arith.muli %scan3A_128, %mul3A_129 : i32
      %get3A_131 = arith.index_cast %mul3A_130 : i32 to index
      %get3A_132 = tpu.vector_load %arg5[%get3A_131] {strides = array<i32>} : memref<34928xi32, #tpu.memory_space<vmem>>, vector<16xi32>,
      %ge3A_133 = arith.constant 0 : i32
      %ge3A_134 = vector.broadcast %ge3A_133 : i32 to vector<16xi32>
      %ge3A_135 = arith.cmpi sge, %get3A_132, %ge3A_134 : vector<16xi32>
      %max3A_136 = arith.constant 0 : i32
      %max3A_137 = vector.broadcast %max3A_136 : i32 to vector<16xi32>
      %max3A_138 = arith.maxsi %get3A_132, %max3A_137 : vector<16xi32>
      %shift_right_logical3A_139 = arith.constant 16 : i32
      %shift_right_logical3A_140 = vector.broadcast %shift_right_logical3A_139 : i32 to vector<16xi32>
      %shift_right_logical3A_141 = arith.shrui %max3A_138, %shift_right_logical3A_140 : vector<16xi32>
      tpu.vector_store_idx %arg6[%shift_right_logical3A_141], %broadcast_in_dim3A_14 masked %ge3A_135 {add = true} : memref<32768xi32, #tpu.memory_space<vmem>>[vector<16xi32>], vector<16xi32>, vector<16xi1>
      %bitcast3A_142 = vector.bitcast %get3A_132 : vector<16xi32> to vector<16xf32>
      tpu.vector_store_idx %arg7[%shift_right_logical3A_141], %bitcast3A_142 masked %ge3A_135 {add = true} : memref<32768xf32, #tpu.memory_space<vmem>>[vector<16xi32>], vector<16xf32>, vector<16xi1>
      %scan3A_143 = arith.constant 1 : i32
      %scan3A_144 = arith.addi %scan3A_128, %scan3A_143 : i32
      %mul3A_145 = arith.constant 16 : i32
      %mul3A_146 = arith.muli %scan3A_144, %mul3A_145 : i32
      %get3A_147 = arith.index_cast %mul3A_146 : i32 to index
      %get3A_148 = tpu.vector_load %arg5[%get3A_147] {strides = array<i32>} : memref<34928xi32, #tpu.memory_space<vmem>>, vector<16xi32>,
      %ge3A_149 = arith.constant 0 : i32
      %ge3A_150 = vector.broadcast %ge3A_149 : i32 to vector<16xi32>
      %ge3A_151 = arith.cmpi sge, %get3A_148, %ge3A_150 : vector<16xi32>
      %max3A_152 = arith.constant 0 : i32
      %max3A_153 = vector.broadcast %max3A_152 : i32 to vector<16xi32>
      %max3A_154 = arith.maxsi %get3A_148, %max3A_153 : vector<16xi32>
      %shift_right_logical3A_155 = arith.constant 16 : i32
      %shift_right_logical3A_156 = vector.broadcast %shift_right_logical3A_155 : i32 to vector<16xi32>
      %shift_right_logical3A_157 = arith.shrui %max3A_154, %shift_right_logical3A_156 : vector<16xi32>
      tpu.vector_store_idx %arg6[%shift_right_logical3A_157], %broadcast_in_dim3A_14 masked %ge3A_151 {add = true} : memref<32768xi32, #tpu.memory_space<vmem>>[vector<16xi32>], vector<16xi32>, vector<16xi1>
      %bitcast3A_158 = vector.bitcast %get3A_148 : vector<16xi32> to vector<16xf32>
      tpu.vector_store_idx %arg7[%shift_right_logical3A_157], %bitcast3A_158 masked %ge3A_151 {add = true} : memref<32768xf32, #tpu.memory_space<vmem>>[vector<16xi32>], vector<16xf32>, vector<16xi1>
      %scan3A_159 = arith.constant 2 : i32
      %scan3A_160 = arith.addi %scan3A_128, %scan3A_159 : i32
      %mul3A_161 = arith.constant 16 : i32
      %mul3A_162 = arith.muli %scan3A_160, %mul3A_161 : i32
      %get3A_163 = arith.index_cast %mul3A_162 : i32 to index
      %get3A_164 = tpu.vector_load %arg5[%get3A_163] {strides = array<i32>} : memref<34928xi32, #tpu.memory_space<vmem>>, vector<16xi32>,
      %ge3A_165 = arith.constant 0 : i32
      %ge3A_166 = vector.broadcast %ge3A_165 : i32 to vector<16xi32>
      %ge3A_167 = arith.cmpi sge, %get3A_164, %ge3A_166 : vector<16xi32>
      %max3A_168 = arith.constant 0 : i32
      %max3A_169 = vector.broadcast %max3A_168 : i32 to vector<16xi32>
      %max3A_170 = arith.maxsi %get3A_164, %max3A_169 : vector<16xi32>
      %shift_right_logical3A_171 = arith.constant 16 : i32
      %shift_right_logical3A_172 = vector.broadcast %shift_right_logical3A_171 : i32 to vector<16xi32>
      %shift_right_logical3A_173 = arith.shrui %max3A_170, %shift_right_logical3A_172 : vector<16xi32>
      tpu.vector_store_idx %arg6[%shift_right_logical3A_173], %broadcast_in_dim3A_14 masked %ge3A_167 {add = true} : memref<32768xi32, #tpu.memory_space<vmem>>[vector<16xi32>], vector<16xi32>, vector<16xi1>
      %bitcast3A_174 = vector.bitcast %get3A_164 : vector<16xi32> to vector<16xf32>
      tpu.vector_store_idx %arg7[%shift_right_logical3A_173], %bitcast3A_174 masked %ge3A_167 {add = true} : memref<32768xf32, #tpu.memory_space<vmem>>[vector<16xi32>], vector<16xf32>, vector<16xi1>
      %scan3A_175 = arith.constant 3 : i32
      %scan3A_176 = arith.addi %scan3A_128, %scan3A_175 : i32
      %mul3A_177 = arith.constant 16 : i32
      %mul3A_178 = arith.muli %scan3A_176, %mul3A_177 : i32
      %get3A_179 = arith.index_cast %mul3A_178 : i32 to index
      %get3A_180 = tpu.vector_load %arg5[%get3A_179] {strides = array<i32>} : memref<34928xi32, #tpu.memory_space<vmem>>, vector<16xi32>,
      %ge3A_181 = arith.constant 0 : i32
      %ge3A_182 = vector.broadcast %ge3A_181 : i32 to vector<16xi32>
      %ge3A_183 = arith.cmpi sge, %get3A_180, %ge3A_182 : vector<16xi32>
      %max3A_184 = arith.constant 0 : i32
      %max3A_185 = vector.broadcast %max3A_184 : i32 to vector<16xi32>
      %max3A_186 = arith.maxsi %get3A_180, %max3A_185 : vector<16xi32>
      %shift_right_logical3A_187 = arith.constant 16 : i32
      %shift_right_logical3A_188 = vector.broadcast %shift_right_logical3A_187 : i32 to vector<16xi32>
      %shift_right_logical3A_189 = arith.shrui %max3A_186, %shift_right_logical3A_188 : vector<16xi32>
      tpu.vector_store_idx %arg6[%shift_right_logical3A_189], %broadcast_in_dim3A_14 masked %ge3A_183 {add = true} : memref<32768xi32, #tpu.memory_space<vmem>>[vector<16xi32>], vector<16xi32>, vector<16xi1>
      %bitcast3A_190 = vector.bitcast %get3A_180 : vector<16xi32> to vector<16xf32>
      tpu.vector_store_idx %arg7[%shift_right_logical3A_189], %bitcast3A_190 masked %ge3A_183 {add = true} : memref<32768xf32, #tpu.memory_space<vmem>>[vector<16xi32>], vector<16xf32>, vector<16xi1>
      %scan3A_191 = arith.constant 4 : i32
      %scan3A_192 = arith.addi %scan3A_128, %scan3A_191 : i32
      %mul3A_193 = arith.constant 16 : i32
      %mul3A_194 = arith.muli %scan3A_192, %mul3A_193 : i32
      %get3A_195 = arith.index_cast %mul3A_194 : i32 to index
      %get3A_196 = tpu.vector_load %arg5[%get3A_195] {strides = array<i32>} : memref<34928xi32, #tpu.memory_space<vmem>>, vector<16xi32>,
      %ge3A_197 = arith.constant 0 : i32
      %ge3A_198 = vector.broadcast %ge3A_197 : i32 to vector<16xi32>
      %ge3A_199 = arith.cmpi sge, %get3A_196, %ge3A_198 : vector<16xi32>
      %max3A_200 = arith.constant 0 : i32
      %max3A_201 = vector.broadcast %max3A_200 : i32 to vector<16xi32>
      %max3A_202 = arith.maxsi %get3A_196, %max3A_201 : vector<16xi32>
      %shift_right_logical3A_203 = arith.constant 16 : i32
      %shift_right_logical3A_204 = vector.broadcast %shift_right_logical3A_203 : i32 to vector<16xi32>
      %shift_right_logical3A_205 = arith.shrui %max3A_202, %shift_right_logical3A_204 : vector<16xi32>
      tpu.vector_store_idx %arg6[%shift_right_logical3A_205], %broadcast_in_dim3A_14 masked %ge3A_199 {add = true} : memref<32768xi32, #tpu.memory_space<vmem>>[vector<16xi32>], vector<16xi32>, vector<16xi1>
      %bitcast3A_206 = vector.bitcast %get3A_196 : vector<16xi32> to vector<16xf32>
      tpu.vector_store_idx %arg7[%shift_right_logical3A_205], %bitcast3A_206 masked %ge3A_199 {add = true} : memref<32768xf32, #tpu.memory_space<vmem>>[vector<16xi32>], vector<16xf32>, vector<16xi1>
      %scan3A_207 = arith.constant 5 : i32
      %scan3A_208 = arith.addi %scan3A_128, %scan3A_207 : i32
      %mul3A_209 = arith.constant 16 : i32
      %mul3A_210 = arith.muli %scan3A_208, %mul3A_209 : i32
      %get3A_211 = arith.index_cast %mul3A_210 : i32 to index
      %get3A_212 = tpu.vector_load %arg5[%get3A_211] {strides = array<i32>} : memref<34928xi32, #tpu.memory_space<vmem>>, vector<16xi32>,
      %ge3A_213 = arith.constant 0 : i32
      %ge3A_214 = vector.broadcast %ge3A_213 : i32 to vector<16xi32>
      %ge3A_215 = arith.cmpi sge, %get3A_212, %ge3A_214 : vector<16xi32>
      %max3A_216 = arith.constant 0 : i32
      %max3A_217 = vector.broadcast %max3A_216 : i32 to vector<16xi32>
      %max3A_218 = arith.maxsi %get3A_212, %max3A_217 : vector<16xi32>
      %shift_right_logical3A_219 = arith.constant 16 : i32
      %shift_right_logical3A_220 = vector.broadcast %shift_right_logical3A_219 : i32 to vector<16xi32>
      %shift_right_logical3A_221 = arith.shrui %max3A_218, %shift_right_logical3A_220 : vector<16xi32>
      tpu.vector_store_idx %arg6[%shift_right_logical3A_221], %broadcast_in_dim3A_14 masked %ge3A_215 {add = true} : memref<32768xi32, #tpu.memory_space<vmem>>[vector<16xi32>], vector<16xi32>, vector<16xi1>
      %bitcast3A_222 = vector.bitcast %get3A_212 : vector<16xi32> to vector<16xf32>
      tpu.vector_store_idx %arg7[%shift_right_logical3A_221], %bitcast3A_222 masked %ge3A_215 {add = true} : memref<32768xf32, #tpu.memory_space<vmem>>[vector<16xi32>], vector<16xf32>, vector<16xi1>
      %scan3A_223 = arith.constant 6 : i32
      %scan3A_224 = arith.addi %scan3A_128, %scan3A_223 : i32
      %mul3A_225 = arith.constant 16 : i32
      %mul3A_226 = arith.muli %scan3A_224, %mul3A_225 : i32
      %get3A_227 = arith.index_cast %mul3A_226 : i32 to index
      %get3A_228 = tpu.vector_load %arg5[%get3A_227] {strides = array<i32>} : memref<34928xi32, #tpu.memory_space<vmem>>, vector<16xi32>,
      %ge3A_229 = arith.constant 0 : i32
      %ge3A_230 = vector.broadcast %ge3A_229 : i32 to vector<16xi32>
      %ge3A_231 = arith.cmpi sge, %get3A_228, %ge3A_230 : vector<16xi32>
      %max3A_232 = arith.constant 0 : i32
      %max3A_233 = vector.broadcast %max3A_232 : i32 to vector<16xi32>
      %max3A_234 = arith.maxsi %get3A_228, %max3A_233 : vector<16xi32>
      %shift_right_logical3A_235 = arith.constant 16 : i32
      %shift_right_logical3A_236 = vector.broadcast %shift_right_logical3A_235 : i32 to vector<16xi32>
      %shift_right_logical3A_237 = arith.shrui %max3A_234, %shift_right_logical3A_236 : vector<16xi32>
      tpu.vector_store_idx %arg6[%shift_right_logical3A_237], %broadcast_in_dim3A_14 masked %ge3A_231 {add = true} : memref<32768xi32, #tpu.memory_space<vmem>>[vector<16xi32>], vector<16xi32>, vector<16xi1>
      %bitcast3A_238 = vector.bitcast %get3A_228 : vector<16xi32> to vector<16xf32>
      tpu.vector_store_idx %arg7[%shift_right_logical3A_237], %bitcast3A_238 masked %ge3A_231 {add = true} : memref<32768xf32, #tpu.memory_space<vmem>>[vector<16xi32>], vector<16xf32>, vector<16xi1>
      %scan3A_239 = arith.constant 7 : i32
      %scan3A_240 = arith.addi %scan3A_128, %scan3A_239 : i32
      %mul3A_241 = arith.constant 16 : i32
      %mul3A_242 = arith.muli %scan3A_240, %mul3A_241 : i32
      %get3A_243 = arith.index_cast %mul3A_242 : i32 to index
      %get3A_244 = tpu.vector_load %arg5[%get3A_243] {strides = array<i32>} : memref<34928xi32, #tpu.memory_space<vmem>>, vector<16xi32>,
      %ge3A_245 = arith.constant 0 : i32
      %ge3A_246 = vector.broadcast %ge3A_245 : i32 to vector<16xi32>
      %ge3A_247 = arith.cmpi sge, %get3A_244, %ge3A_246 : vector<16xi32>
      %max3A_248 = arith.constant 0 : i32
      %max3A_249 = vector.broadcast %max3A_248 : i32 to vector<16xi32>
      %max3A_250 = arith.maxsi %get3A_244, %max3A_249 : vector<16xi32>
      %shift_right_logical3A_251 = arith.constant 16 : i32
      %shift_right_logical3A_252 = vector.broadcast %shift_right_logical3A_251 : i32 to vector<16xi32>
      %shift_right_logical3A_253 = arith.shrui %max3A_250, %shift_right_logical3A_252 : vector<16xi32>
      tpu.vector_store_idx %arg6[%shift_right_logical3A_253], %broadcast_in_dim3A_14 masked %ge3A_247 {add = true} : memref<32768xi32, #tpu.memory_space<vmem>>[vector<16xi32>], vector<16xi32>, vector<16xi1>
      %bitcast3A_254 = vector.bitcast %get3A_244 : vector<16xi32> to vector<16xf32>
      tpu.vector_store_idx %arg7[%shift_right_logical3A_253], %bitcast3A_254 masked %ge3A_247 {add = true} : memref<32768xf32, #tpu.memory_space<vmem>>[vector<16xi32>], vector<16xf32>, vector<16xi1>
      %scan3A_255 = arith.constant 8 : i32
      %scan3A_256 = arith.addi %scan3A_128, %scan3A_255 : i32
      %mul3A_257 = arith.constant 16 : i32
      %mul3A_258 = arith.muli %scan3A_256, %mul3A_257 : i32
      %get3A_259 = arith.index_cast %mul3A_258 : i32 to index
      %get3A_260 = tpu.vector_load %arg5[%get3A_259] {strides = array<i32>} : memref<34928xi32, #tpu.memory_space<vmem>>, vector<16xi32>,
      %ge3A_261 = arith.constant 0 : i32
      %ge3A_262 = vector.broadcast %ge3A_261 : i32 to vector<16xi32>
      %ge3A_263 = arith.cmpi sge, %get3A_260, %ge3A_262 : vector<16xi32>
      %max3A_264 = arith.constant 0 : i32
      %max3A_265 = vector.broadcast %max3A_264 : i32 to vector<16xi32>
      %max3A_266 = arith.maxsi %get3A_260, %max3A_265 : vector<16xi32>
      %shift_right_logical3A_267 = arith.constant 16 : i32
      %shift_right_logical3A_268 = vector.broadcast %shift_right_logical3A_267 : i32 to vector<16xi32>
      %shift_right_logical3A_269 = arith.shrui %max3A_266, %shift_right_logical3A_268 : vector<16xi32>
      tpu.vector_store_idx %arg6[%shift_right_logical3A_269], %broadcast_in_dim3A_14 masked %ge3A_263 {add = true} : memref<32768xi32, #tpu.memory_space<vmem>>[vector<16xi32>], vector<16xi32>, vector<16xi1>
      %bitcast3A_270 = vector.bitcast %get3A_260 : vector<16xi32> to vector<16xf32>
      tpu.vector_store_idx %arg7[%shift_right_logical3A_269], %bitcast3A_270 masked %ge3A_263 {add = true} : memref<32768xf32, #tpu.memory_space<vmem>>[vector<16xi32>], vector<16xf32>, vector<16xi1>
      %scan3A_271 = arith.constant 9 : i32
      %scan3A_272 = arith.addi %scan3A_128, %scan3A_271 : i32
      %mul3A_273 = arith.constant 16 : i32
      %mul3A_274 = arith.muli %scan3A_272, %mul3A_273 : i32
      %get3A_275 = arith.index_cast %mul3A_274 : i32 to index
      %get3A_276 = tpu.vector_load %arg5[%get3A_275] {strides = array<i32>} : memref<34928xi32, #tpu.memory_space<vmem>>, vector<16xi32>,
      %ge3A_277 = arith.constant 0 : i32
      %ge3A_278 = vector.broadcast %ge3A_277 : i32 to vector<16xi32>
      %ge3A_279 = arith.cmpi sge, %get3A_276, %ge3A_278 : vector<16xi32>
      %max3A_280 = arith.constant 0 : i32
      %max3A_281 = vector.broadcast %max3A_280 : i32 to vector<16xi32>
      %max3A_282 = arith.maxsi %get3A_276, %max3A_281 : vector<16xi32>
      %shift_right_logical3A_283 = arith.constant 16 : i32
      %shift_right_logical3A_284 = vector.broadcast %shift_right_logical3A_283 : i32 to vector<16xi32>
      %shift_right_logical3A_285 = arith.shrui %max3A_282, %shift_right_logical3A_284 : vector<16xi32>
      tpu.vector_store_idx %arg6[%shift_right_logical3A_285], %broadcast_in_dim3A_14 masked %ge3A_279 {add = true} : memref<32768xi32, #tpu.memory_space<vmem>>[vector<16xi32>], vector<16xi32>, vector<16xi1>
      %bitcast3A_286 = vector.bitcast %get3A_276 : vector<16xi32> to vector<16xf32>
      tpu.vector_store_idx %arg7[%shift_right_logical3A_285], %bitcast3A_286 masked %ge3A_279 {add = true} : memref<32768xf32, #tpu.memory_space<vmem>>[vector<16xi32>], vector<16xf32>, vector<16xi1>
      %scan3A_287 = arith.constant 10 : i32
      %scan3A_288 = arith.addi %scan3A_128, %scan3A_287 : i32
      %mul3A_289 = arith.constant 16 : i32
      %mul3A_290 = arith.muli %scan3A_288, %mul3A_289 : i32
      %get3A_291 = arith.index_cast %mul3A_290 : i32 to index
      %get3A_292 = tpu.vector_load %arg5[%get3A_291] {strides = array<i32>} : memref<34928xi32, #tpu.memory_space<vmem>>, vector<16xi32>,
      %ge3A_293 = arith.constant 0 : i32
      %ge3A_294 = vector.broadcast %ge3A_293 : i32 to vector<16xi32>
      %ge3A_295 = arith.cmpi sge, %get3A_292, %ge3A_294 : vector<16xi32>
      %max3A_296 = arith.constant 0 : i32
      %max3A_297 = vector.broadcast %max3A_296 : i32 to vector<16xi32>
      %max3A_298 = arith.maxsi %get3A_292, %max3A_297 : vector<16xi32>
      %shift_right_logical3A_299 = arith.constant 16 : i32
      %shift_right_logical3A_300 = vector.broadcast %shift_right_logical3A_299 : i32 to vector<16xi32>
      %shift_right_logical3A_301 = arith.shrui %max3A_298, %shift_right_logical3A_300 : vector<16xi32>
      tpu.vector_store_idx %arg6[%shift_right_logical3A_301], %broadcast_in_dim3A_14 masked %ge3A_295 {add = true} : memref<32768xi32, #tpu.memory_space<vmem>>[vector<16xi32>], vector<16xi32>, vector<16xi1>
      %bitcast3A_302 = vector.bitcast %get3A_292 : vector<16xi32> to vector<16xf32>
      tpu.vector_store_idx %arg7[%shift_right_logical3A_301], %bitcast3A_302 masked %ge3A_295 {add = true} : memref<32768xf32, #tpu.memory_space<vmem>>[vector<16xi32>], vector<16xf32>, vector<16xi1>
      %scan3A_303 = arith.constant 11 : i32
      %scan3A_304 = arith.addi %scan3A_128, %scan3A_303 : i32
      %mul3A_305 = arith.constant 16 : i32
      %mul3A_306 = arith.muli %scan3A_304, %mul3A_305 : i32
      %get3A_307 = arith.index_cast %mul3A_306 : i32 to index
      %get3A_308 = tpu.vector_load %arg5[%get3A_307] {strides = array<i32>} : memref<34928xi32, #tpu.memory_space<vmem>>, vector<16xi32>,
      %ge3A_309 = arith.constant 0 : i32
      %ge3A_310 = vector.broadcast %ge3A_309 : i32 to vector<16xi32>
      %ge3A_311 = arith.cmpi sge, %get3A_308, %ge3A_310 : vector<16xi32>
      %max3A_312 = arith.constant 0 : i32
      %max3A_313 = vector.broadcast %max3A_312 : i32 to vector<16xi32>
      %max3A_314 = arith.maxsi %get3A_308, %max3A_313 : vector<16xi32>
      %shift_right_logical3A_315 = arith.constant 16 : i32
      %shift_right_logical3A_316 = vector.broadcast %shift_right_logical3A_315 : i32 to vector<16xi32>
      %shift_right_logical3A_317 = arith.shrui %max3A_314, %shift_right_logical3A_316 : vector<16xi32>
      tpu.vector_store_idx %arg6[%shift_right_logical3A_317], %broadcast_in_dim3A_14 masked %ge3A_311 {add = true} : memref<32768xi32, #tpu.memory_space<vmem>>[vector<16xi32>], vector<16xi32>, vector<16xi1>
      %bitcast3A_318 = vector.bitcast %get3A_308 : vector<16xi32> to vector<16xf32>
      tpu.vector_store_idx %arg7[%shift_right_logical3A_317], %bitcast3A_318 masked %ge3A_311 {add = true} : memref<32768xf32, #tpu.memory_space<vmem>>[vector<16xi32>], vector<16xf32>, vector<16xi1>
      %scan3A_319 = arith.constant 12 : i32
      %scan3A_320 = arith.addi %scan3A_128, %scan3A_319 : i32
      %mul3A_321 = arith.constant 16 : i32
      %mul3A_322 = arith.muli %scan3A_320, %mul3A_321 : i32
      %get3A_323 = arith.index_cast %mul3A_322 : i32 to index
      %get3A_324 = tpu.vector_load %arg5[%get3A_323] {strides = array<i32>} : memref<34928xi32, #tpu.memory_space<vmem>>, vector<16xi32>,
      %ge3A_325 = arith.constant 0 : i32
      %ge3A_326 = vector.broadcast %ge3A_325 : i32 to vector<16xi32>
      %ge3A_327 = arith.cmpi sge, %get3A_324, %ge3A_326 : vector<16xi32>
      %max3A_328 = arith.constant 0 : i32
      %max3A_329 = vector.broadcast %max3A_328 : i32 to vector<16xi32>
      %max3A_330 = arith.maxsi %get3A_324, %max3A_329 : vector<16xi32>
      %shift_right_logical3A_331 = arith.constant 16 : i32
      %shift_right_logical3A_332 = vector.broadcast %shift_right_logical3A_331 : i32 to vector<16xi32>
      %shift_right_logical3A_333 = arith.shrui %max3A_330, %shift_right_logical3A_332 : vector<16xi32>
      tpu.vector_store_idx %arg6[%shift_right_logical3A_333], %broadcast_in_dim3A_14 masked %ge3A_327 {add = true} : memref<32768xi32, #tpu.memory_space<vmem>>[vector<16xi32>], vector<16xi32>, vector<16xi1>
      %bitcast3A_334 = vector.bitcast %get3A_324 : vector<16xi32> to vector<16xf32>
      tpu.vector_store_idx %arg7[%shift_right_logical3A_333], %bitcast3A_334 masked %ge3A_327 {add = true} : memref<32768xf32, #tpu.memory_space<vmem>>[vector<16xi32>], vector<16xf32>, vector<16xi1>
      %scan3A_335 = arith.constant 13 : i32
      %scan3A_336 = arith.addi %scan3A_128, %scan3A_335 : i32
      %mul3A_337 = arith.constant 16 : i32
      %mul3A_338 = arith.muli %scan3A_336, %mul3A_337 : i32
      %get3A_339 = arith.index_cast %mul3A_338 : i32 to index
      %get3A_340 = tpu.vector_load %arg5[%get3A_339] {strides = array<i32>} : memref<34928xi32, #tpu.memory_space<vmem>>, vector<16xi32>,
      %ge3A_341 = arith.constant 0 : i32
      %ge3A_342 = vector.broadcast %ge3A_341 : i32 to vector<16xi32>
      %ge3A_343 = arith.cmpi sge, %get3A_340, %ge3A_342 : vector<16xi32>
      %max3A_344 = arith.constant 0 : i32
      %max3A_345 = vector.broadcast %max3A_344 : i32 to vector<16xi32>
      %max3A_346 = arith.maxsi %get3A_340, %max3A_345 : vector<16xi32>
      %shift_right_logical3A_347 = arith.constant 16 : i32
      %shift_right_logical3A_348 = vector.broadcast %shift_right_logical3A_347 : i32 to vector<16xi32>
      %shift_right_logical3A_349 = arith.shrui %max3A_346, %shift_right_logical3A_348 : vector<16xi32>
      tpu.vector_store_idx %arg6[%shift_right_logical3A_349], %broadcast_in_dim3A_14 masked %ge3A_343 {add = true} : memref<32768xi32, #tpu.memory_space<vmem>>[vector<16xi32>], vector<16xi32>, vector<16xi1>
      %bitcast3A_350 = vector.bitcast %get3A_340 : vector<16xi32> to vector<16xf32>
      tpu.vector_store_idx %arg7[%shift_right_logical3A_349], %bitcast3A_350 masked %ge3A_343 {add = true} : memref<32768xf32, #tpu.memory_space<vmem>>[vector<16xi32>], vector<16xf32>, vector<16xi1>
      %scan3A_351 = arith.constant 14 : i32
      %scan3A_352 = arith.addi %scan3A_128, %scan3A_351 : i32
      %mul3A_353 = arith.constant 16 : i32
      %mul3A_354 = arith.muli %scan3A_352, %mul3A_353 : i32
      %get3A_355 = arith.index_cast %mul3A_354 : i32 to index
      %get3A_356 = tpu.vector_load %arg5[%get3A_355] {strides = array<i32>} : memref<34928xi32, #tpu.memory_space<vmem>>, vector<16xi32>,
      %ge3A_357 = arith.constant 0 : i32
      %ge3A_358 = vector.broadcast %ge3A_357 : i32 to vector<16xi32>
      %ge3A_359 = arith.cmpi sge, %get3A_356, %ge3A_358 : vector<16xi32>
      %max3A_360 = arith.constant 0 : i32
      %max3A_361 = vector.broadcast %max3A_360 : i32 to vector<16xi32>
      %max3A_362 = arith.maxsi %get3A_356, %max3A_361 : vector<16xi32>
      %shift_right_logical3A_363 = arith.constant 16 : i32
      %shift_right_logical3A_364 = vector.broadcast %shift_right_logical3A_363 : i32 to vector<16xi32>
      %shift_right_logical3A_365 = arith.shrui %max3A_362, %shift_right_logical3A_364 : vector<16xi32>
      tpu.vector_store_idx %arg6[%shift_right_logical3A_365], %broadcast_in_dim3A_14 masked %ge3A_359 {add = true} : memref<32768xi32, #tpu.memory_space<vmem>>[vector<16xi32>], vector<16xi32>, vector<16xi1>
      %bitcast3A_366 = vector.bitcast %get3A_356 : vector<16xi32> to vector<16xf32>
      tpu.vector_store_idx %arg7[%shift_right_logical3A_365], %bitcast3A_366 masked %ge3A_359 {add = true} : memref<32768xf32, #tpu.memory_space<vmem>>[vector<16xi32>], vector<16xf32>, vector<16xi1>
      %scan3A_367 = arith.constant 15 : i32
      %scan3A_368 = arith.addi %scan3A_128, %scan3A_367 : i32
      %mul3A_369 = arith.constant 16 : i32
      %mul3A_370 = arith.muli %scan3A_368, %mul3A_369 : i32
      %get3A_371 = arith.index_cast %mul3A_370 : i32 to index
      %get3A_372 = tpu.vector_load %arg5[%get3A_371] {strides = array<i32>} : memref<34928xi32, #tpu.memory_space<vmem>>, vector<16xi32>,
      %ge3A_373 = arith.constant 0 : i32
      %ge3A_374 = vector.broadcast %ge3A_373 : i32 to vector<16xi32>
      %ge3A_375 = arith.cmpi sge, %get3A_372, %ge3A_374 : vector<16xi32>
      %max3A_376 = arith.constant 0 : i32
      %max3A_377 = vector.broadcast %max3A_376 : i32 to vector<16xi32>
      %max3A_378 = arith.maxsi %get3A_372, %max3A_377 : vector<16xi32>
      %shift_right_logical3A_379 = arith.constant 16 : i32
      %shift_right_logical3A_380 = vector.broadcast %shift_right_logical3A_379 : i32 to vector<16xi32>
      %shift_right_logical3A_381 = arith.shrui %max3A_378, %shift_right_logical3A_380 : vector<16xi32>
      tpu.vector_store_idx %arg6[%shift_right_logical3A_381], %broadcast_in_dim3A_14 masked %ge3A_375 {add = true} : memref<32768xi32, #tpu.memory_space<vmem>>[vector<16xi32>], vector<16xi32>, vector<16xi1>
      %bitcast3A_382 = vector.bitcast %get3A_372 : vector<16xi32> to vector<16xf32>
      tpu.vector_store_idx %arg7[%shift_right_logical3A_381], %bitcast3A_382 masked %ge3A_375 {add = true} : memref<32768xf32, #tpu.memory_space<vmem>>[vector<16xi32>], vector<16xf32>, vector<16xi1>
    }
    %scan3A_20 = arith.constant 2176 : i32
    %scan3A_21 = arith.addi %scan3A_16, %scan3A_20 : i32
    %mul3A_22 = arith.constant 16 : i32
    %mul3A_23 = arith.muli %scan3A_21, %mul3A_22 : i32
    %get3A = arith.index_cast %mul3A_23 : i32 to index
    %get3A_24 = tpu.vector_load %arg5[%get3A] {strides = array<i32>} : memref<34928xi32, #tpu.memory_space<vmem>>, vector<16xi32>,
    %ge3A = arith.constant 0 : i32
    %ge3A_25 = vector.broadcast %ge3A : i32 to vector<16xi32>
    %ge3A_26 = arith.cmpi sge, %get3A_24, %ge3A_25 : vector<16xi32>
    %max3A = arith.constant 0 : i32
    %max3A_27 = vector.broadcast %max3A : i32 to vector<16xi32>
    %max3A_28 = arith.maxsi %get3A_24, %max3A_27 : vector<16xi32>
    %shift_right_logical3A = arith.constant 16 : i32
    %shift_right_logical3A_29 = vector.broadcast %shift_right_logical3A : i32 to vector<16xi32>
    %shift_right_logical3A_30 = arith.shrui %max3A_28, %shift_right_logical3A_29 : vector<16xi32>
    tpu.vector_store_idx %arg6[%shift_right_logical3A_30], %broadcast_in_dim3A_14 masked %ge3A_26 {add = true} : memref<32768xi32, #tpu.memory_space<vmem>>[vector<16xi32>], vector<16xi32>, vector<16xi1>
    %bitcast3A = vector.bitcast %get3A_24 : vector<16xi32> to vector<16xf32>
    tpu.vector_store_idx %arg7[%shift_right_logical3A_30], %bitcast3A masked %ge3A_26 {add = true} : memref<32768xf32, #tpu.memory_space<vmem>>[vector<16xi32>], vector<16xf32>, vector<16xi1>
    %scan3A_31 = arith.constant 2177 : i32
    %scan3A_32 = arith.addi %scan3A_16, %scan3A_31 : i32
    %mul3A_33 = arith.constant 16 : i32
    %mul3A_34 = arith.muli %scan3A_32, %mul3A_33 : i32
    %get3A_35 = arith.index_cast %mul3A_34 : i32 to index
    %get3A_36 = tpu.vector_load %arg5[%get3A_35] {strides = array<i32>} : memref<34928xi32, #tpu.memory_space<vmem>>, vector<16xi32>,
    %ge3A_37 = arith.constant 0 : i32
    %ge3A_38 = vector.broadcast %ge3A_37 : i32 to vector<16xi32>
    %ge3A_39 = arith.cmpi sge, %get3A_36, %ge3A_38 : vector<16xi32>
    %max3A_40 = arith.constant 0 : i32
    %max3A_41 = vector.broadcast %max3A_40 : i32 to vector<16xi32>
    %max3A_42 = arith.maxsi %get3A_36, %max3A_41 : vector<16xi32>
    %shift_right_logical3A_43 = arith.constant 16 : i32
    %shift_right_logical3A_44 = vector.broadcast %shift_right_logical3A_43 : i32 to vector<16xi32>
    %shift_right_logical3A_45 = arith.shrui %max3A_42, %shift_right_logical3A_44 : vector<16xi32>
    tpu.vector_store_idx %arg6[%shift_right_logical3A_45], %broadcast_in_dim3A_14 masked %ge3A_39 {add = true} : memref<32768xi32, #tpu.memory_space<vmem>>[vector<16xi32>], vector<16xi32>, vector<16xi1>
    %bitcast3A_46 = vector.bitcast %get3A_36 : vector<16xi32> to vector<16xf32>
    tpu.vector_store_idx %arg7[%shift_right_logical3A_45], %bitcast3A_46 masked %ge3A_39 {add = true} : memref<32768xf32, #tpu.memory_space<vmem>>[vector<16xi32>], vector<16xf32>, vector<16xi1>
    %scan3A_47 = arith.constant 2178 : i32
    %scan3A_48 = arith.addi %scan3A_16, %scan3A_47 : i32
    %mul3A_49 = arith.constant 16 : i32
    %mul3A_50 = arith.muli %scan3A_48, %mul3A_49 : i32
    %get3A_51 = arith.index_cast %mul3A_50 : i32 to index
    %get3A_52 = tpu.vector_load %arg5[%get3A_51] {strides = array<i32>} : memref<34928xi32, #tpu.memory_space<vmem>>, vector<16xi32>,
    %ge3A_53 = arith.constant 0 : i32
    %ge3A_54 = vector.broadcast %ge3A_53 : i32 to vector<16xi32>
    %ge3A_55 = arith.cmpi sge, %get3A_52, %ge3A_54 : vector<16xi32>
    %max3A_56 = arith.constant 0 : i32
    %max3A_57 = vector.broadcast %max3A_56 : i32 to vector<16xi32>
    %max3A_58 = arith.maxsi %get3A_52, %max3A_57 : vector<16xi32>
    %shift_right_logical3A_59 = arith.constant 16 : i32
    %shift_right_logical3A_60 = vector.broadcast %shift_right_logical3A_59 : i32 to vector<16xi32>
    %shift_right_logical3A_61 = arith.shrui %max3A_58, %shift_right_logical3A_60 : vector<16xi32>
    tpu.vector_store_idx %arg6[%shift_right_logical3A_61], %broadcast_in_dim3A_14 masked %ge3A_55 {add = true} : memref<32768xi32, #tpu.memory_space<vmem>>[vector<16xi32>], vector<16xi32>, vector<16xi1>
    %bitcast3A_62 = vector.bitcast %get3A_52 : vector<16xi32> to vector<16xf32>
    tpu.vector_store_idx %arg7[%shift_right_logical3A_61], %bitcast3A_62 masked %ge3A_55 {add = true} : memref<32768xf32, #tpu.memory_space<vmem>>[vector<16xi32>], vector<16xf32>, vector<16xi1>
    %scan3A_63 = arith.constant 2179 : i32
    %scan3A_64 = arith.addi %scan3A_16, %scan3A_63 : i32
    %mul3A_65 = arith.constant 16 : i32
    %mul3A_66 = arith.muli %scan3A_64, %mul3A_65 : i32
    %get3A_67 = arith.index_cast %mul3A_66 : i32 to index
    %get3A_68 = tpu.vector_load %arg5[%get3A_67] {strides = array<i32>} : memref<34928xi32, #tpu.memory_space<vmem>>, vector<16xi32>,
    %ge3A_69 = arith.constant 0 : i32
    %ge3A_70 = vector.broadcast %ge3A_69 : i32 to vector<16xi32>
    %ge3A_71 = arith.cmpi sge, %get3A_68, %ge3A_70 : vector<16xi32>
    %max3A_72 = arith.constant 0 : i32
    %max3A_73 = vector.broadcast %max3A_72 : i32 to vector<16xi32>
    %max3A_74 = arith.maxsi %get3A_68, %max3A_73 : vector<16xi32>
    %shift_right_logical3A_75 = arith.constant 16 : i32
    %shift_right_logical3A_76 = vector.broadcast %shift_right_logical3A_75 : i32 to vector<16xi32>
    %shift_right_logical3A_77 = arith.shrui %max3A_74, %shift_right_logical3A_76 : vector<16xi32>
    tpu.vector_store_idx %arg6[%shift_right_logical3A_77], %broadcast_in_dim3A_14 masked %ge3A_71 {add = true} : memref<32768xi32, #tpu.memory_space<vmem>>[vector<16xi32>], vector<16xi32>, vector<16xi1>
    %bitcast3A_78 = vector.bitcast %get3A_68 : vector<16xi32> to vector<16xf32>
    tpu.vector_store_idx %arg7[%shift_right_logical3A_77], %bitcast3A_78 masked %ge3A_71 {add = true} : memref<32768xf32, #tpu.memory_space<vmem>>[vector<16xi32>], vector<16xf32>, vector<16xi1>
    %scan3A_79 = arith.constant 2180 : i32
    %scan3A_80 = arith.addi %scan3A_16, %scan3A_79 : i32
    %mul3A_81 = arith.constant 16 : i32
    %mul3A_82 = arith.muli %scan3A_80, %mul3A_81 : i32
    %get3A_83 = arith.index_cast %mul3A_82 : i32 to index
    %get3A_84 = tpu.vector_load %arg5[%get3A_83] {strides = array<i32>} : memref<34928xi32, #tpu.memory_space<vmem>>, vector<16xi32>,
    %ge3A_85 = arith.constant 0 : i32
    %ge3A_86 = vector.broadcast %ge3A_85 : i32 to vector<16xi32>
    %ge3A_87 = arith.cmpi sge, %get3A_84, %ge3A_86 : vector<16xi32>
    %max3A_88 = arith.constant 0 : i32
    %max3A_89 = vector.broadcast %max3A_88 : i32 to vector<16xi32>
    %max3A_90 = arith.maxsi %get3A_84, %max3A_89 : vector<16xi32>
    %shift_right_logical3A_91 = arith.constant 16 : i32
    %shift_right_logical3A_92 = vector.broadcast %shift_right_logical3A_91 : i32 to vector<16xi32>
    %shift_right_logical3A_93 = arith.shrui %max3A_90, %shift_right_logical3A_92 : vector<16xi32>
    tpu.vector_store_idx %arg6[%shift_right_logical3A_93], %broadcast_in_dim3A_14 masked %ge3A_87 {add = true} : memref<32768xi32, #tpu.memory_space<vmem>>[vector<16xi32>], vector<16xi32>, vector<16xi1>
    %bitcast3A_94 = vector.bitcast %get3A_84 : vector<16xi32> to vector<16xf32>
    tpu.vector_store_idx %arg7[%shift_right_logical3A_93], %bitcast3A_94 masked %ge3A_87 {add = true} : memref<32768xf32, #tpu.memory_space<vmem>>[vector<16xi32>], vector<16xf32>, vector<16xi1>
    %scan3A_95 = arith.constant 2181 : i32
    %scan3A_96 = arith.addi %scan3A_16, %scan3A_95 : i32
    %mul3A_97 = arith.constant 16 : i32
    %mul3A_98 = arith.muli %scan3A_96, %mul3A_97 : i32
    %get3A_99 = arith.index_cast %mul3A_98 : i32 to index
    %get3A_100 = tpu.vector_load %arg5[%get3A_99] {strides = array<i32>} : memref<34928xi32, #tpu.memory_space<vmem>>, vector<16xi32>,
    %ge3A_101 = arith.constant 0 : i32
    %ge3A_102 = vector.broadcast %ge3A_101 : i32 to vector<16xi32>
    %ge3A_103 = arith.cmpi sge, %get3A_100, %ge3A_102 : vector<16xi32>
    %max3A_104 = arith.constant 0 : i32
    %max3A_105 = vector.broadcast %max3A_104 : i32 to vector<16xi32>
    %max3A_106 = arith.maxsi %get3A_100, %max3A_105 : vector<16xi32>
    %shift_right_logical3A_107 = arith.constant 16 : i32
    %shift_right_logical3A_108 = vector.broadcast %shift_right_logical3A_107 : i32 to vector<16xi32>
    %shift_right_logical3A_109 = arith.shrui %max3A_106, %shift_right_logical3A_108 : vector<16xi32>
    tpu.vector_store_idx %arg6[%shift_right_logical3A_109], %broadcast_in_dim3A_14 masked %ge3A_103 {add = true} : memref<32768xi32, #tpu.memory_space<vmem>>[vector<16xi32>], vector<16xi32>, vector<16xi1>
    %bitcast3A_110 = vector.bitcast %get3A_100 : vector<16xi32> to vector<16xf32>
    tpu.vector_store_idx %arg7[%shift_right_logical3A_109], %bitcast3A_110 masked %ge3A_103 {add = true} : memref<32768xf32, #tpu.memory_space<vmem>>[vector<16xi32>], vector<16xf32>, vector<16xi1>
    %scan3A_111 = arith.constant 2182 : i32
    %scan3A_112 = arith.addi %scan3A_16, %scan3A_111 : i32
    %mul3A_113 = arith.constant 16 : i32
    %mul3A_114 = arith.muli %scan3A_112, %mul3A_113 : i32
    %get3A_115 = arith.index_cast %mul3A_114 : i32 to index
    %get3A_116 = tpu.vector_load %arg5[%get3A_115] {strides = array<i32>} : memref<34928xi32, #tpu.memory_space<vmem>>, vector<16xi32>,
    %ge3A_117 = arith.constant 0 : i32
    %ge3A_118 = vector.broadcast %ge3A_117 : i32 to vector<16xi32>
    %ge3A_119 = arith.cmpi sge, %get3A_116, %ge3A_118 : vector<16xi32>
    %max3A_120 = arith.constant 0 : i32
    %max3A_121 = vector.broadcast %max3A_120 : i32 to vector<16xi32>
    %max3A_122 = arith.maxsi %get3A_116, %max3A_121 : vector<16xi32>
    %shift_right_logical3A_123 = arith.constant 16 : i32
    %shift_right_logical3A_124 = vector.broadcast %shift_right_logical3A_123 : i32 to vector<16xi32>
    %shift_right_logical3A_125 = arith.shrui %max3A_122, %shift_right_logical3A_124 : vector<16xi32>
    tpu.vector_store_idx %arg6[%shift_right_logical3A_125], %broadcast_in_dim3A_14 masked %ge3A_119 {add = true} : memref<32768xi32, #tpu.memory_space<vmem>>[vector<16xi32>], vector<16xi32>, vector<16xi1>
    %bitcast3A_126 = vector.bitcast %get3A_116 : vector<16xi32> to vector<16xf32>
    tpu.vector_store_idx %arg7[%shift_right_logical3A_125], %bitcast3A_126 masked %ge3A_119 {add = true} : memref<32768xf32, #tpu.memory_space<vmem>>[vector<16xi32>], vector<16xf32>, vector<16xi1>
    %scan3A_127 = arith.constant 2183 : i32
    "tpu.region"() ({
      %run_scoped3A = tpu.sem_alloc : memref<!tpu.dma_semaphore, #tpu.memory_space<semaphore_mem>>
      %dma_start3A_128 = arith.constant 0 : i32
      %dma_start3A_129 = tpu.memref_slice %arg3[%add3A, %dma_start3A_128] : memref<32x32768xi32, #tpu.memory_space<hbm>> -> memref<1x32768xi32, #tpu.memory_space<hbm>>
      %dma_start3A_130 = tpu.memref_squeeze %dma_start3A_129 : memref<1x32768xi32, #tpu.memory_space<hbm>> -> memref<32768xi32, #tpu.memory_space<hbm>>
      %dma_start3A_131 = arith.constant 0 : i32
      %dma_start3A_132 = tpu.memref_slice %arg3[%add3A, %dma_start3A_131] : memref<32x32768xi32, #tpu.memory_space<hbm>> -> memref<1x32768xi32, #tpu.memory_space<hbm>>
      %dma_start3A_133 = tpu.memref_squeeze %dma_start3A_132 : memref<1x32768xi32, #tpu.memory_space<hbm>> -> memref<32768xi32, #tpu.memory_space<hbm>>
      tpu.enqueue_dma source(%arg6 : memref<32768xi32, #tpu.memory_space<vmem>>) target(%dma_start3A_133 : memref<32768xi32, #tpu.memory_space<hbm>>) target_semaphore(%run_scoped3A : memref<!tpu.dma_semaphore, #tpu.memory_space<semaphore_mem>>)
      %dma_wait3A_134 = arith.constant 0 : i32
      %dma_wait3A_135 = tpu.memref_slice %arg3[%add3A, %dma_wait3A_134] : memref<32x32768xi32, #tpu.memory_space<hbm>> -> memref<1x32768xi32, #tpu.memory_space<hbm>>
      %dma_wait3A_136 = tpu.memref_squeeze %dma_wait3A_135 : memref<1x32768xi32, #tpu.memory_space<hbm>> -> memref<32768xi32, #tpu.memory_space<hbm>>
      %dma_wait3A_137 = arith.constant 0 : i32
      %dma_wait3A_138 = tpu.memref_slice %arg3[%add3A, %dma_wait3A_137] : memref<32x32768xi32, #tpu.memory_space<hbm>> -> memref<1x32768xi32, #tpu.memory_space<hbm>>
      %dma_wait3A_139 = tpu.memref_squeeze %dma_wait3A_138 : memref<1x32768xi32, #tpu.memory_space<hbm>> -> memref<32768xi32, #tpu.memory_space<hbm>>
      tpu.wait_dma2 semaphore(%run_scoped3A : memref<!tpu.dma_semaphore, #tpu.memory_space<semaphore_mem>>) src(%arg6 : memref<32768xi32, #tpu.memory_space<vmem>>) dst(%dma_wait3A_139 : memref<32768xi32, #tpu.memory_space<hbm>>)
      tpu.yield
    }) : () -> ()
    "tpu.region"() ({
      %run_scoped3A = tpu.sem_alloc : memref<!tpu.dma_semaphore, #tpu.memory_space<semaphore_mem>>
      %dma_start3A_128 = arith.constant 0 : i32
      %dma_start3A_129 = tpu.memref_slice %arg4[%add3A, %dma_start3A_128] : memref<32x32768xf32, #tpu.memory_space<hbm>> -> memref<1x32768xf32, #tpu.memory_space<hbm>>
      %dma_start3A_130 = tpu.memref_squeeze %dma_start3A_129 : memref<1x32768xf32, #tpu.memory_space<hbm>> -> memref<32768xf32, #tpu.memory_space<hbm>>
      %dma_start3A_131 = arith.constant 0 : i32
      %dma_start3A_132 = tpu.memref_slice %arg4[%add3A, %dma_start3A_131] : memref<32x32768xf32, #tpu.memory_space<hbm>> -> memref<1x32768xf32, #tpu.memory_space<hbm>>
      %dma_start3A_133 = tpu.memref_squeeze %dma_start3A_132 : memref<1x32768xf32, #tpu.memory_space<hbm>> -> memref<32768xf32, #tpu.memory_space<hbm>>
      tpu.enqueue_dma source(%arg7 : memref<32768xf32, #tpu.memory_space<vmem>>) target(%dma_start3A_133 : memref<32768xf32, #tpu.memory_space<hbm>>) target_semaphore(%run_scoped3A : memref<!tpu.dma_semaphore, #tpu.memory_space<semaphore_mem>>)
      %dma_wait3A_134 = arith.constant 0 : i32
      %dma_wait3A_135 = tpu.memref_slice %arg4[%add3A, %dma_wait3A_134] : memref<32x32768xf32, #tpu.memory_space<hbm>> -> memref<1x32768xf32, #tpu.memory_space<hbm>>
      %dma_wait3A_136 = tpu.memref_squeeze %dma_wait3A_135 : memref<1x32768xf32, #tpu.memory_space<hbm>> -> memref<32768xf32, #tpu.memory_space<hbm>>
      %dma_wait3A_137 = arith.constant 0 : i32
      %dma_wait3A_138 = tpu.memref_slice %arg4[%add3A, %dma_wait3A_137] : memref<32x32768xf32, #tpu.memory_space<hbm>> -> memref<1x32768xf32, #tpu.memory_space<hbm>>
      %dma_wait3A_139 = tpu.memref_squeeze %dma_wait3A_138 : memref<1x32768xf32, #tpu.memory_space<hbm>> -> memref<32768xf32, #tpu.memory_space<hbm>>
      tpu.wait_dma2 semaphore(%run_scoped3A : memref<!tpu.dma_semaphore, #tpu.memory_space<semaphore_mem>>) src(%arg7 : memref<32768xf32, #tpu.memory_space<vmem>>) dst(%dma_wait3A_139 : memref<32768xf32, #tpu.memory_space<hbm>>)
      tpu.yield
    }) : () -> ()
    return
  }
}

module attributes {stable_mosaic.version = 14 : i64} {
  func.func @_phase1_kernel(%arg0: i32, %arg1: memref<17x8732xf32, #tpu.memory_space<vmem>>, %arg2: memref<4x25x8732xf32, #tpu.memory_space<vmem>>, %arg3: memref<4x4x32xf32, #tpu.memory_space<vmem>>, %arg4: memref<4x32x4xf32, #tpu.memory_space<vmem>>, %arg5: memref<4x1x32xf32, #tpu.memory_space<vmem>>, %arg6: memref<4x1x8732xi32, #tpu.memory_space<vmem>>, %arg7: memref<1xf32, #tpu.memory_space<smem>>, %arg8: memref<1xi32, #tpu.memory_space<smem>>) attributes {dimension_semantics = [#tpu.dimension_semantics<arbitrary>], iteration_bounds = array<i64: 32>, scalar_prefetch = 0 : i64, scratch_operands = 0 : i64, tpu.core_type = #tpu.core_type<tc>, window_params = [{pipeline_mode = #tpu.pipeline_mode<synchronous>, transform_indices = @transform_0, window_bounds = array<i64: 17, 8732>}, {transform_indices = @transform_1, window_bounds = array<i64: 4, 25, 8732>}, {transform_indices = @transform_2, window_bounds = array<i64: 4, 4, 32>}, {transform_indices = @transform_3, window_bounds = array<i64: 4, 32, 4>}, {transform_indices = @transform_4, window_bounds = array<i64: 4, 1, 32>}, {transform_indices = @transform_5, window_bounds = array<i64: 4, 1, 8732>}, {transform_indices = @transform_6, window_bounds = array<i64: 1>}, {transform_indices = @transform_7, window_bounds = array<i64: 1>}]} {
    %get3A = arith.constant 0 : index
    %get3A_0 = arith.constant 0 : index
    %get3A_1 = vector.load %arg1[%get3A, %get3A_0] : memref<17x8732xf32, #tpu.memory_space<vmem>>, vector<1x8732xf32>
    %get3A_2 = arith.constant 1 : index
    %get3A_3 = arith.constant 0 : index
    %get3A_4 = vector.load %arg1[%get3A_2, %get3A_3] : memref<17x8732xf32, #tpu.memory_space<vmem>>, vector<1x8732xf32>
    %get3A_5 = arith.constant 2 : index
    %get3A_6 = arith.constant 0 : index
    %get3A_7 = vector.load %arg1[%get3A_5, %get3A_6] : memref<17x8732xf32, #tpu.memory_space<vmem>>, vector<1x8732xf32>
    %get3A_8 = arith.constant 3 : index
    %get3A_9 = arith.constant 0 : index
    %get3A_10 = vector.load %arg1[%get3A_8, %get3A_9] : memref<17x8732xf32, #tpu.memory_space<vmem>>, vector<1x8732xf32>
    %get3A_11 = arith.constant 4 : index
    %get3A_12 = arith.constant 0 : index
    %get3A_13 = vector.load %arg1[%get3A_11, %get3A_12] : memref<17x8732xf32, #tpu.memory_space<vmem>>, vector<1x8732xf32>
    %get3A_14 = arith.constant 0 : index
    %get3A_15 = arith.constant 0 : index
    %get3A_16 = arith.constant 0 : index
    %get3A_17 = vector.load %arg4[%get3A_14, %get3A_15, %get3A_16] : memref<4x32x4xf32, #tpu.memory_space<vmem>>, vector<1x32x4xf32>
    %get3A_18 = vector.shape_cast %get3A_17 : vector<1x32x4xf32> to vector<32x4xf32>
    %slice3A = vector.extract_strided_slice %get3A_18 {offsets = [0, 0], sizes = [32, 1], strides = [1, 1]} : vector<32x4xf32> to vector<32x1xf32>
    %slice3A_19 = vector.extract_strided_slice %get3A_18 {offsets = [0, 1], sizes = [32, 1], strides = [1, 1]} : vector<32x4xf32> to vector<32x1xf32>
    %slice3A_20 = vector.extract_strided_slice %get3A_18 {offsets = [0, 2], sizes = [32, 1], strides = [1, 1]} : vector<32x4xf32> to vector<32x1xf32>
    %slice3A_21 = vector.extract_strided_slice %get3A_18 {offsets = [0, 3], sizes = [32, 1], strides = [1, 1]} : vector<32x4xf32> to vector<32x1xf32>
    %mul3A = arith.constant 5.000000e-01 : f32
    %mul3A_22 = vector.broadcast %mul3A : f32 to vector<32x1xf32>
    %mul3A_23 = arith.mulf %slice3A_20, %mul3A_22 : vector<32x1xf32>
    %sub3A = arith.subf %slice3A, %mul3A_23 : vector<32x1xf32>
    %mul3A_24 = arith.constant 5.000000e-01 : f32
    %mul3A_25 = vector.broadcast %mul3A_24 : f32 to vector<32x1xf32>
    %mul3A_26 = arith.mulf %slice3A_21, %mul3A_25 : vector<32x1xf32>
    %sub3A_27 = arith.subf %slice3A_19, %mul3A_26 : vector<32x1xf32>
    %mul3A_28 = arith.constant 5.000000e-01 : f32
    %mul3A_29 = vector.broadcast %mul3A_28 : f32 to vector<32x1xf32>
    %mul3A_30 = arith.mulf %slice3A_20, %mul3A_29 : vector<32x1xf32>
    %add3A = arith.addf %slice3A, %mul3A_30 : vector<32x1xf32>
    %mul3A_31 = arith.constant 5.000000e-01 : f32
    %mul3A_32 = vector.broadcast %mul3A_31 : f32 to vector<32x1xf32>
    %mul3A_33 = arith.mulf %slice3A_21, %mul3A_32 : vector<32x1xf32>
    %add3A_34 = arith.addf %slice3A_19, %mul3A_33 : vector<32x1xf32>
    %mul3A_35 = arith.mulf %slice3A_20, %slice3A_21 : vector<32x1xf32>
    %max3A = vector.broadcast %sub3A : vector<32x1xf32> to vector<32x8732xf32>
    %max3A_36 = vector.broadcast %get3A_1 : vector<1x8732xf32> to vector<32x8732xf32>
    %max3A_37 = arith.maximumf %max3A, %max3A_36 : vector<32x8732xf32>
    %max3A_38 = vector.broadcast %sub3A_27 : vector<32x1xf32> to vector<32x8732xf32>
    %max3A_39 = vector.broadcast %get3A_4 : vector<1x8732xf32> to vector<32x8732xf32>
    %max3A_40 = arith.maximumf %max3A_38, %max3A_39 : vector<32x8732xf32>
    %min3A = vector.broadcast %add3A : vector<32x1xf32> to vector<32x8732xf32>
    %min3A_41 = vector.broadcast %get3A_7 : vector<1x8732xf32> to vector<32x8732xf32>
    %min3A_42 = arith.minimumf %min3A, %min3A_41 : vector<32x8732xf32>
    %min3A_43 = vector.broadcast %add3A_34 : vector<32x1xf32> to vector<32x8732xf32>
    %min3A_44 = vector.broadcast %get3A_10 : vector<1x8732xf32> to vector<32x8732xf32>
    %min3A_45 = arith.minimumf %min3A_43, %min3A_44 : vector<32x8732xf32>
    %sub3A_46 = arith.subf %min3A_42, %max3A_37 : vector<32x8732xf32>
    %max3A_47 = arith.constant 0.000000e+00 : f32
    %max3A_48 = vector.broadcast %max3A_47 : f32 to vector<32x8732xf32>
    %max3A_49 = arith.maximumf %sub3A_46, %max3A_48 : vector<32x8732xf32>
    %sub3A_50 = arith.subf %min3A_45, %max3A_40 : vector<32x8732xf32>
    %max3A_51 = arith.constant 0.000000e+00 : f32
    %max3A_52 = vector.broadcast %max3A_51 : f32 to vector<32x8732xf32>
    %max3A_53 = arith.maximumf %sub3A_50, %max3A_52 : vector<32x8732xf32>
    %mul3A_54 = arith.mulf %max3A_49, %max3A_53 : vector<32x8732xf32>
    %add3A_55 = vector.broadcast %mul3A_35 : vector<32x1xf32> to vector<32x8732xf32>
    %add3A_56 = vector.broadcast %get3A_13 : vector<1x8732xf32> to vector<32x8732xf32>
    %add3A_57 = arith.addf %add3A_55, %add3A_56 : vector<32x8732xf32>
    %div3A = arith.divf %mul3A_54, %add3A_57 : vector<32x8732xf32>
    %iota3A = tpu.iota {dimensions = array<i32: 0>} : vector<32x1xi32>
    %sub3A_58 = arith.constant 31 : i32
    %sub3A_59 = vector.broadcast %sub3A_58 : i32 to vector<32x1xi32>
    %sub3A_60 = arith.subi %sub3A_59, %iota3A : vector<32x1xi32>
    %bitcast_convert_type3A = tpu.bitcast %div3A : vector<32x8732xf32> -> vector<32x8732xi32>
    %and3A = arith.constant -32 : i32
    %and3A_61 = vector.broadcast %and3A : i32 to vector<32x8732xi32>
    %and3A_62 = arith.andi %bitcast_convert_type3A, %and3A_61 : vector<32x8732xi32>
    %or3A = vector.broadcast %sub3A_60 : vector<32x1xi32> to vector<32x8732xi32>
    %or3A_63 = arith.ori %and3A_62, %or3A : vector<32x8732xi32>
    %reduce_max3A = arith.constant dense<-2147483648> : vector<8732xi32>
    %reduce_max3A_64 = vector.multi_reduction <maxsi>, %or3A_63, %reduce_max3A [0] : vector<32x8732xi32> to vector<8732xi32>
    %broadcast_in_dim3A = vector.shape_cast %reduce_max3A_64 : vector<8732xi32> to vector<1x8732xi32>
    %and3A_65 = arith.constant -32 : i32
    %and3A_66 = vector.broadcast %and3A_65 : i32 to vector<1x8732xi32>
    %and3A_67 = arith.andi %broadcast_in_dim3A, %and3A_66 : vector<1x8732xi32>
    %bitcast_convert_type3A_68 = tpu.bitcast %and3A_67 : vector<1x8732xi32> -> vector<1x8732xf32>
    %gt3A = arith.constant 0.333333343 : f32
    %gt3A_69 = vector.broadcast %gt3A : f32 to vector<1x8732xf32>
    %gt3A_70 = arith.cmpf ogt, %bitcast_convert_type3A_68, %gt3A_69 : vector<1x8732xf32>
    %convert_element_type3A = arith.extui %gt3A_70 : vector<1x8732xi1> to vector<1x8732xi32>
    %convert_element_type3A_71 = arith.sitofp %convert_element_type3A : vector<1x8732xi32> to vector<1x8732xf32>
    %convert_element_type3A_72 = arith.extui %gt3A_70 : vector<1x8732xi1> to vector<1x8732xi32>
    %reduce_sum3A = vector.shape_cast %convert_element_type3A_72 : vector<1x8732xi32> to vector<1x1x8732xi32>
    %reduce_sum3A_73 = arith.constant dense<0> : vector<1xi32>
    %reduce_sum3A_74 = vector.multi_reduction <add>, %reduce_sum3A, %reduce_sum3A_73 [1, 2] : vector<1x1x8732xi32> to vector<1xi32>
    %reduce_sum3A_75 = vector.shape_cast %reduce_sum3A_74 : vector<1xi32> to vector<1x1x1xi32>
    %reduce_sum3A_76 = vector.extract %reduce_sum3A_75[0, 0, 0] : i32 from vector<1x1x1xi32>
    %eq3A = vector.broadcast %broadcast_in_dim3A : vector<1x8732xi32> to vector<32x8732xi32>
    %eq3A_77 = arith.cmpi eq, %or3A_63, %eq3A : vector<32x8732xi32>
    %convert_element_type3A_78 = arith.extui %eq3A_77 : vector<32x8732xi1> to vector<32x8732xi32>
    %convert_element_type3A_79 = arith.sitofp %convert_element_type3A_78 : vector<32x8732xi32> to vector<32x8732xf32>
    %get3A_80 = arith.constant 0 : index
    %get3A_81 = arith.constant 0 : index
    %get3A_82 = arith.constant 0 : index
    %get3A_83 = vector.load %arg3[%get3A_80, %get3A_81, %get3A_82] : memref<4x4x32xf32, #tpu.memory_space<vmem>>, vector<1x4x32xf32>
    %get3A_84 = vector.shape_cast %get3A_83 : vector<1x4x32xf32> to vector<4x32xf32>
    %slice3A_85 = vector.extract_strided_slice %get3A_84 {offsets = [2, 0], sizes = [1, 32], strides = [1, 1]} : vector<4x32xf32> to vector<1x32xf32>
    %log3A = math.log %slice3A_85 : vector<1x32xf32>
    %slice3A_86 = vector.extract_strided_slice %get3A_84 {offsets = [3, 0], sizes = [1, 32], strides = [1, 1]} : vector<4x32xf32> to vector<1x32xf32>
    %log3A_87 = math.log %slice3A_86 : vector<1x32xf32>
    %get3A_88 = arith.constant 0 : index
    %get3A_89 = arith.constant 0 : index
    %get3A_90 = arith.constant 0 : index
    %get3A_91 = vector.load %arg5[%get3A_88, %get3A_89, %get3A_90] : memref<4x1x32xf32, #tpu.memory_space<vmem>>, vector<1x1x32xf32>
    %get3A_92 = vector.shape_cast %get3A_91 : vector<1x1x32xf32> to vector<1x32xf32>
    %broadcast_in_dim3A_93 = arith.constant 0.000000e+00 : f32
    %broadcast_in_dim3A_94 = vector.broadcast %broadcast_in_dim3A_93 : f32 to vector<3x32xf32>
    %slice3A_95 = vector.extract_strided_slice %get3A_84 {offsets = [0, 0], sizes = [1, 32], strides = [1, 1]} : vector<4x32xf32> to vector<1x32xf32>
    %slice3A_96 = vector.extract_strided_slice %get3A_84 {offsets = [1, 0], sizes = [1, 32], strides = [1, 1]} : vector<4x32xf32> to vector<1x32xf32>
    %concatenate3A = tpu.concatenate %slice3A_95, %slice3A_96, %log3A, %log3A_87, %get3A_92, %broadcast_in_dim3A_94 in 0 : vector<1x32xf32>, vector<1x32xf32>, vector<1x32xf32>, vector<1x32xf32>, vector<1x32xf32>, vector<3x32xf32> -> vector<8x32xf32>
    %dot_general3A = arith.constant dense<0.000000e+00> : vector<8x8732xf32>
    %dot_general3A_97 = tpu.matmul %concatenate3A, %convert_element_type3A_79, %dot_general3A {dimension_numbers = #tpu.dot_dimension_numbers<[1], [0], [0], [1], [0, 0, 1, 1], [], []>, transpose_lhs_hint = false} : vector<8x32xf32>, vector<32x8732xf32>, vector<8x8732xf32> -> vector<8x8732xf32>
    %slice3A_98 = vector.extract_strided_slice %dot_general3A_97 {offsets = [4, 0], sizes = [1, 8732], strides = [1, 1]} : vector<8x8732xf32> to vector<1x8732xf32>
    %slice3A_99 = vector.extract_strided_slice %dot_general3A_97 {offsets = [0, 0], sizes = [4, 8732], strides = [1, 1]} : vector<8x8732xf32> to vector<4x8732xf32>
    %get3A_100 = arith.constant 5 : index
    %get3A_101 = arith.constant 0 : index
    %get3A_102 = vector.load %arg1[%get3A_100, %get3A_101] : memref<17x8732xf32, #tpu.memory_space<vmem>>, vector<4x8732xf32>
    %sub3A_103 = arith.subf %slice3A_99, %get3A_102 : vector<4x8732xf32>
    %get3A_104 = arith.constant 9 : index
    %get3A_105 = arith.constant 0 : index
    %get3A_106 = vector.load %arg1[%get3A_104, %get3A_105] : memref<17x8732xf32, #tpu.memory_space<vmem>>, vector<4x8732xf32>
    %mul3A_107 = arith.mulf %sub3A_103, %get3A_106 : vector<4x8732xf32>
    %get3A_108 = arith.constant 13 : index
    %get3A_109 = arith.constant 0 : index
    %get3A_110 = vector.load %arg1[%get3A_108, %get3A_109] : memref<17x8732xf32, #tpu.memory_space<vmem>>, vector<4x8732xf32>
    %add3A_111 = arith.addf %mul3A_107, %get3A_110 : vector<4x8732xf32>
    %get3A_112 = arith.constant 0 : index
    %get3A_113 = arith.constant 0 : index
    %get3A_114 = arith.constant 0 : index
    %get3A_115 = vector.load %arg2[%get3A_112, %get3A_113, %get3A_114] : memref<4x25x8732xf32, #tpu.memory_space<vmem>>, vector<1x4x8732xf32>
    %get3A_116 = vector.shape_cast %get3A_115 : vector<1x4x8732xf32> to vector<4x8732xf32>
    %sub3A_117 = arith.subf %get3A_116, %add3A_111 : vector<4x8732xf32>
    %abs3A = math.absf %sub3A_117 : vector<4x8732xf32>
    %lt3A = arith.constant 1.000000e+00 : f32
    %lt3A_118 = vector.broadcast %lt3A : f32 to vector<4x8732xf32>
    %lt3A_119 = arith.cmpf olt, %abs3A, %lt3A_118 : vector<4x8732xf32>
    %mul3A_120 = arith.constant 5.000000e-01 : f32
    %mul3A_121 = vector.broadcast %mul3A_120 : f32 to vector<4x8732xf32>
    %mul3A_122 = arith.mulf %mul3A_121, %sub3A_117 : vector<4x8732xf32>
    %mul3A_123 = arith.mulf %mul3A_122, %sub3A_117 : vector<4x8732xf32>
    %sub3A_124 = arith.constant 5.000000e-01 : f32
    %sub3A_125 = vector.broadcast %sub3A_124 : f32 to vector<4x8732xf32>
    %sub3A_126 = arith.subf %abs3A, %sub3A_125 : vector<4x8732xf32>
    %select_n3A = arith.select %lt3A_119, %mul3A_123, %sub3A_126 : vector<4x8732xi1>, vector<4x8732xf32>
    %mul3A_127 = vector.broadcast %convert_element_type3A_71 : vector<1x8732xf32> to vector<4x8732xf32>
    %mul3A_128 = arith.mulf %select_n3A, %mul3A_127 : vector<4x8732xf32>
    %reduce_sum3A_129 = vector.shape_cast %mul3A_128 : vector<4x8732xf32> to vector<1x4x8732xf32>
    %reduce_sum3A_130 = arith.constant dense<0.000000e+00> : vector<1xf32>
    %reduce_sum3A_131 = vector.multi_reduction <add>, %reduce_sum3A_129, %reduce_sum3A_130 [1, 2] : vector<1x4x8732xf32> to vector<1xf32>
    %reduce_sum3A_132 = vector.shape_cast %reduce_sum3A_131 : vector<1xf32> to vector<1x1x1xf32>
    %reduce_sum3A_133 = vector.extract %reduce_sum3A_132[0, 0, 0] : f32 from vector<1x1x1xf32>
    %get3A_134 = arith.constant 0 : index
    %get3A_135 = arith.constant 4 : index
    %get3A_136 = arith.constant 0 : index
    %get3A_137 = vector.load %arg2[%get3A_134, %get3A_135, %get3A_136] : memref<4x25x8732xf32, #tpu.memory_space<vmem>>, vector<1x21x8732xf32>
    %get3A_138 = vector.shape_cast %get3A_137 : vector<1x21x8732xf32> to vector<21x8732xf32>
    %reduce_max3A_139 = arith.constant dense<0xFF800000> : vector<8732xf32>
    %reduce_max3A_140 = vector.multi_reduction <maximumf>, %get3A_138, %reduce_max3A_139 [0] : vector<21x8732xf32> to vector<8732xf32>
    %broadcast_in_dim3A_141 = vector.shape_cast %reduce_max3A_140 : vector<8732xf32> to vector<1x8732xf32>
    %sub3A_142 = vector.broadcast %broadcast_in_dim3A_141 : vector<1x8732xf32> to vector<21x8732xf32>
    %sub3A_143 = arith.subf %get3A_138, %sub3A_142 : vector<21x8732xf32>
    %exp3A = math.exp %sub3A_143 : vector<21x8732xf32>
    %reduce_sum3A_144 = arith.constant dense<0.000000e+00> : vector<8732xf32>
    %reduce_sum3A_145 = vector.multi_reduction <add>, %exp3A, %reduce_sum3A_144 [0] : vector<21x8732xf32> to vector<8732xf32>
    %broadcast_in_dim3A_146 = vector.shape_cast %reduce_sum3A_145 : vector<8732xf32> to vector<1x8732xf32>
    %log3A_147 = math.log %broadcast_in_dim3A_146 : vector<1x8732xf32>
    %add3A_148 = arith.addf %broadcast_in_dim3A_141, %log3A_147 : vector<1x8732xf32>
    %iota3A_149 = tpu.iota {dimensions = array<i32: 0>} : vector<21x1xi32>
    %convert_element_type3A_150 = arith.sitofp %iota3A_149 : vector<21x1xi32> to vector<21x1xf32>
    %eq3A_151 = vector.broadcast %slice3A_98 : vector<1x8732xf32> to vector<21x8732xf32>
    %eq3A_152 = vector.broadcast %convert_element_type3A_150 : vector<21x1xf32> to vector<21x8732xf32>
    %eq3A_153 = arith.cmpf oeq, %eq3A_151, %eq3A_152 : vector<21x8732xf32>
    %convert_element_type3A_154 = arith.extui %eq3A_153 : vector<21x8732xi1> to vector<21x8732xi32>
    %convert_element_type3A_155 = arith.sitofp %convert_element_type3A_154 : vector<21x8732xi32> to vector<21x8732xf32>
    %mul3A_156 = vector.broadcast %convert_element_type3A_71 : vector<1x8732xf32> to vector<21x8732xf32>
    %mul3A_157 = arith.mulf %convert_element_type3A_155, %mul3A_156 : vector<21x8732xf32>
    %mul3A_158 = arith.mulf %mul3A_157, %get3A_138 : vector<21x8732xf32>
    %reduce_sum3A_159 = vector.shape_cast %mul3A_158 : vector<21x8732xf32> to vector<1x21x8732xf32>
    %reduce_sum3A_160 = arith.constant dense<0.000000e+00> : vector<1xf32>
    %reduce_sum3A_161 = vector.multi_reduction <add>, %reduce_sum3A_159, %reduce_sum3A_160 [1, 2] : vector<1x21x8732xf32> to vector<1xf32>
    %reduce_sum3A_162 = vector.shape_cast %reduce_sum3A_161 : vector<1xf32> to vector<1x1x1xf32>
    %reduce_sum3A_163 = vector.extract %reduce_sum3A_162[0, 0, 0] : f32 from vector<1x1x1xf32>
    %mul3A_164 = arith.mulf %add3A_148, %convert_element_type3A_71 : vector<1x8732xf32>
    %reduce_sum3A_165 = vector.shape_cast %mul3A_164 : vector<1x8732xf32> to vector<1x1x8732xf32>
    %reduce_sum3A_166 = arith.constant dense<0.000000e+00> : vector<1xf32>
    %reduce_sum3A_167 = vector.multi_reduction <add>, %reduce_sum3A_165, %reduce_sum3A_166 [1, 2] : vector<1x1x8732xf32> to vector<1xf32>
    %reduce_sum3A_168 = vector.shape_cast %reduce_sum3A_167 : vector<1xf32> to vector<1x1x1xf32>
    %reduce_sum3A_169 = vector.extract %reduce_sum3A_168[0, 0, 0] : f32 from vector<1x1x1xf32>
    %sub3A_170 = arith.subf %reduce_sum3A_169, %reduce_sum3A_163 : f32
    %get3A_171 = arith.constant 0 : index
    %get3A_172 = arith.constant 4 : index
    %get3A_173 = arith.constant 0 : index
    %get3A_174 = vector.load %arg2[%get3A_171, %get3A_172, %get3A_173] : memref<4x25x8732xf32, #tpu.memory_space<vmem>>, vector<1x1x8732xf32>
    %get3A_175 = vector.shape_cast %get3A_174 : vector<1x1x8732xf32> to vector<1x8732xf32>
    %sub3A_176 = arith.subf %add3A_148, %get3A_175 : vector<1x8732xf32>
    %bitcast_convert_type3A_177 = tpu.bitcast %sub3A_176 : vector<1x8732xf32> -> vector<1x8732xi32>
    %jit3A = arith.constant -1 : i32
    %broadcast_in_dim3A_178 = vector.broadcast %jit3A : i32 to vector<1x8732xi32>
    %select_n3A_179 = arith.select %gt3A_70, %broadcast_in_dim3A_178, %bitcast_convert_type3A_177 : vector<1x8732xi1>, vector<1x8732xi32>
    %swap3A = arith.constant 0 : index
    %swap3A_180 = arith.constant 0 : index
    %swap3A_181 = arith.constant 0 : index
    %swap3A_182 = vector.load %arg6[%swap3A, %swap3A_180, %swap3A_181] : memref<4x1x8732xi32, #tpu.memory_space<vmem>>, vector<1x1x8732xi32>
    %swap3A_183 = vector.shape_cast %swap3A_182 : vector<1x1x8732xi32> to vector<1x8732xi32>
    %swap3A_184 = vector.shape_cast %select_n3A_179 : vector<1x8732xi32> to vector<1x1x8732xi32>
    tpu.vector_store %arg6[%swap3A, %swap3A_180, %swap3A_181], %swap3A_184 {strides = array<i32>} : memref<4x1x8732xi32, #tpu.memory_space<vmem>>, vector<1x1x8732xi32>,
    %add3A_185 = arith.addf %reduce_sum3A_133, %sub3A_170 : f32
    %get3A_186 = arith.constant 0 : index
    %get3A_187 = arith.constant 0 : index
    %get3A_188 = vector.load %arg1[%get3A_186, %get3A_187] : memref<17x8732xf32, #tpu.memory_space<vmem>>, vector<1x8732xf32>
    %get3A_189 = arith.constant 1 : index
    %get3A_190 = arith.constant 0 : index
    %get3A_191 = vector.load %arg1[%get3A_189, %get3A_190] : memref<17x8732xf32, #tpu.memory_space<vmem>>, vector<1x8732xf32>
    %get3A_192 = arith.constant 2 : index
    %get3A_193 = arith.constant 0 : index
    %get3A_194 = vector.load %arg1[%get3A_192, %get3A_193] : memref<17x8732xf32, #tpu.memory_space<vmem>>, vector<1x8732xf32>
    %get3A_195 = arith.constant 3 : index
    %get3A_196 = arith.constant 0 : index
    %get3A_197 = vector.load %arg1[%get3A_195, %get3A_196] : memref<17x8732xf32, #tpu.memory_space<vmem>>, vector<1x8732xf32>
    %get3A_198 = arith.constant 4 : index
    %get3A_199 = arith.constant 0 : index
    %get3A_200 = vector.load %arg1[%get3A_198, %get3A_199] : memref<17x8732xf32, #tpu.memory_space<vmem>>, vector<1x8732xf32>
    %get3A_201 = arith.constant 1 : index
    %get3A_202 = arith.constant 0 : index
    %get3A_203 = arith.constant 0 : index
    %get3A_204 = vector.load %arg4[%get3A_201, %get3A_202, %get3A_203] : memref<4x32x4xf32, #tpu.memory_space<vmem>>, vector<1x32x4xf32>
    %get3A_205 = vector.shape_cast %get3A_204 : vector<1x32x4xf32> to vector<32x4xf32>
    %slice3A_206 = vector.extract_strided_slice %get3A_205 {offsets = [0, 0], sizes = [32, 1], strides = [1, 1]} : vector<32x4xf32> to vector<32x1xf32>
    %slice3A_207 = vector.extract_strided_slice %get3A_205 {offsets = [0, 1], sizes = [32, 1], strides = [1, 1]} : vector<32x4xf32> to vector<32x1xf32>
    %slice3A_208 = vector.extract_strided_slice %get3A_205 {offsets = [0, 2], sizes = [32, 1], strides = [1, 1]} : vector<32x4xf32> to vector<32x1xf32>
    %slice3A_209 = vector.extract_strided_slice %get3A_205 {offsets = [0, 3], sizes = [32, 1], strides = [1, 1]} : vector<32x4xf32> to vector<32x1xf32>
    %mul3A_210 = arith.constant 5.000000e-01 : f32
    %mul3A_211 = vector.broadcast %mul3A_210 : f32 to vector<32x1xf32>
    %mul3A_212 = arith.mulf %slice3A_208, %mul3A_211 : vector<32x1xf32>
    %sub3A_213 = arith.subf %slice3A_206, %mul3A_212 : vector<32x1xf32>
    %mul3A_214 = arith.constant 5.000000e-01 : f32
    %mul3A_215 = vector.broadcast %mul3A_214 : f32 to vector<32x1xf32>
    %mul3A_216 = arith.mulf %slice3A_209, %mul3A_215 : vector<32x1xf32>
    %sub3A_217 = arith.subf %slice3A_207, %mul3A_216 : vector<32x1xf32>
    %mul3A_218 = arith.constant 5.000000e-01 : f32
    %mul3A_219 = vector.broadcast %mul3A_218 : f32 to vector<32x1xf32>
    %mul3A_220 = arith.mulf %slice3A_208, %mul3A_219 : vector<32x1xf32>
    %add3A_221 = arith.addf %slice3A_206, %mul3A_220 : vector<32x1xf32>
    %mul3A_222 = arith.constant 5.000000e-01 : f32
    %mul3A_223 = vector.broadcast %mul3A_222 : f32 to vector<32x1xf32>
    %mul3A_224 = arith.mulf %slice3A_209, %mul3A_223 : vector<32x1xf32>
    %add3A_225 = arith.addf %slice3A_207, %mul3A_224 : vector<32x1xf32>
    %mul3A_226 = arith.mulf %slice3A_208, %slice3A_209 : vector<32x1xf32>
    %max3A_227 = vector.broadcast %sub3A_213 : vector<32x1xf32> to vector<32x8732xf32>
    %max3A_228 = vector.broadcast %get3A_188 : vector<1x8732xf32> to vector<32x8732xf32>
    %max3A_229 = arith.maximumf %max3A_227, %max3A_228 : vector<32x8732xf32>
    %max3A_230 = vector.broadcast %sub3A_217 : vector<32x1xf32> to vector<32x8732xf32>
    %max3A_231 = vector.broadcast %get3A_191 : vector<1x8732xf32> to vector<32x8732xf32>
    %max3A_232 = arith.maximumf %max3A_230, %max3A_231 : vector<32x8732xf32>
    %min3A_233 = vector.broadcast %add3A_221 : vector<32x1xf32> to vector<32x8732xf32>
    %min3A_234 = vector.broadcast %get3A_194 : vector<1x8732xf32> to vector<32x8732xf32>
    %min3A_235 = arith.minimumf %min3A_233, %min3A_234 : vector<32x8732xf32>
    %min3A_236 = vector.broadcast %add3A_225 : vector<32x1xf32> to vector<32x8732xf32>
    %min3A_237 = vector.broadcast %get3A_197 : vector<1x8732xf32> to vector<32x8732xf32>
    %min3A_238 = arith.minimumf %min3A_236, %min3A_237 : vector<32x8732xf32>
    %sub3A_239 = arith.subf %min3A_235, %max3A_229 : vector<32x8732xf32>
    %max3A_240 = arith.constant 0.000000e+00 : f32
    %max3A_241 = vector.broadcast %max3A_240 : f32 to vector<32x8732xf32>
    %max3A_242 = arith.maximumf %sub3A_239, %max3A_241 : vector<32x8732xf32>
    %sub3A_243 = arith.subf %min3A_238, %max3A_232 : vector<32x8732xf32>
    %max3A_244 = arith.constant 0.000000e+00 : f32
    %max3A_245 = vector.broadcast %max3A_244 : f32 to vector<32x8732xf32>
    %max3A_246 = arith.maximumf %sub3A_243, %max3A_245 : vector<32x8732xf32>
    %mul3A_247 = arith.mulf %max3A_242, %max3A_246 : vector<32x8732xf32>
    %add3A_248 = vector.broadcast %mul3A_226 : vector<32x1xf32> to vector<32x8732xf32>
    %add3A_249 = vector.broadcast %get3A_200 : vector<1x8732xf32> to vector<32x8732xf32>
    %add3A_250 = arith.addf %add3A_248, %add3A_249 : vector<32x8732xf32>
    %div3A_251 = arith.divf %mul3A_247, %add3A_250 : vector<32x8732xf32>
    %iota3A_252 = tpu.iota {dimensions = array<i32: 0>} : vector<32x1xi32>
    %sub3A_253 = arith.constant 31 : i32
    %sub3A_254 = vector.broadcast %sub3A_253 : i32 to vector<32x1xi32>
    %sub3A_255 = arith.subi %sub3A_254, %iota3A_252 : vector<32x1xi32>
    %bitcast_convert_type3A_256 = tpu.bitcast %div3A_251 : vector<32x8732xf32> -> vector<32x8732xi32>
    %and3A_257 = arith.constant -32 : i32
    %and3A_258 = vector.broadcast %and3A_257 : i32 to vector<32x8732xi32>
    %and3A_259 = arith.andi %bitcast_convert_type3A_256, %and3A_258 : vector<32x8732xi32>
    %or3A_260 = vector.broadcast %sub3A_255 : vector<32x1xi32> to vector<32x8732xi32>
    %or3A_261 = arith.ori %and3A_259, %or3A_260 : vector<32x8732xi32>
    %reduce_max3A_262 = arith.constant dense<-2147483648> : vector<8732xi32>
    %reduce_max3A_263 = vector.multi_reduction <maxsi>, %or3A_261, %reduce_max3A_262 [0] : vector<32x8732xi32> to vector<8732xi32>
    %broadcast_in_dim3A_264 = vector.shape_cast %reduce_max3A_263 : vector<8732xi32> to vector<1x8732xi32>
    %and3A_265 = arith.constant -32 : i32
    %and3A_266 = vector.broadcast %and3A_265 : i32 to vector<1x8732xi32>
    %and3A_267 = arith.andi %broadcast_in_dim3A_264, %and3A_266 : vector<1x8732xi32>
    %bitcast_convert_type3A_268 = tpu.bitcast %and3A_267 : vector<1x8732xi32> -> vector<1x8732xf32>
    %gt3A_269 = arith.constant 0.333333343 : f32
    %gt3A_270 = vector.broadcast %gt3A_269 : f32 to vector<1x8732xf32>
    %gt3A_271 = arith.cmpf ogt, %bitcast_convert_type3A_268, %gt3A_270 : vector<1x8732xf32>
    %convert_element_type3A_272 = arith.extui %gt3A_271 : vector<1x8732xi1> to vector<1x8732xi32>
    %convert_element_type3A_273 = arith.sitofp %convert_element_type3A_272 : vector<1x8732xi32> to vector<1x8732xf32>
    %convert_element_type3A_274 = arith.extui %gt3A_271 : vector<1x8732xi1> to vector<1x8732xi32>
    %reduce_sum3A_275 = vector.shape_cast %convert_element_type3A_274 : vector<1x8732xi32> to vector<1x1x8732xi32>
    %reduce_sum3A_276 = arith.constant dense<0> : vector<1xi32>
    %reduce_sum3A_277 = vector.multi_reduction <add>, %reduce_sum3A_275, %reduce_sum3A_276 [1, 2] : vector<1x1x8732xi32> to vector<1xi32>
    %reduce_sum3A_278 = vector.shape_cast %reduce_sum3A_277 : vector<1xi32> to vector<1x1x1xi32>
    %reduce_sum3A_279 = vector.extract %reduce_sum3A_278[0, 0, 0] : i32 from vector<1x1x1xi32>
    %eq3A_280 = vector.broadcast %broadcast_in_dim3A_264 : vector<1x8732xi32> to vector<32x8732xi32>
    %eq3A_281 = arith.cmpi eq, %or3A_261, %eq3A_280 : vector<32x8732xi32>
    %convert_element_type3A_282 = arith.extui %eq3A_281 : vector<32x8732xi1> to vector<32x8732xi32>
    %convert_element_type3A_283 = arith.sitofp %convert_element_type3A_282 : vector<32x8732xi32> to vector<32x8732xf32>
    %get3A_284 = arith.constant 1 : index
    %get3A_285 = arith.constant 0 : index
    %get3A_286 = arith.constant 0 : index
    %get3A_287 = vector.load %arg3[%get3A_284, %get3A_285, %get3A_286] : memref<4x4x32xf32, #tpu.memory_space<vmem>>, vector<1x4x32xf32>
    %get3A_288 = vector.shape_cast %get3A_287 : vector<1x4x32xf32> to vector<4x32xf32>
    %slice3A_289 = vector.extract_strided_slice %get3A_288 {offsets = [2, 0], sizes = [1, 32], strides = [1, 1]} : vector<4x32xf32> to vector<1x32xf32>
    %log3A_290 = math.log %slice3A_289 : vector<1x32xf32>
    %slice3A_291 = vector.extract_strided_slice %get3A_288 {offsets = [3, 0], sizes = [1, 32], strides = [1, 1]} : vector<4x32xf32> to vector<1x32xf32>
    %log3A_292 = math.log %slice3A_291 : vector<1x32xf32>
    %get3A_293 = arith.constant 1 : index
    %get3A_294 = arith.constant 0 : index
    %get3A_295 = arith.constant 0 : index
    %get3A_296 = vector.load %arg5[%get3A_293, %get3A_294, %get3A_295] : memref<4x1x32xf32, #tpu.memory_space<vmem>>, vector<1x1x32xf32>
    %get3A_297 = vector.shape_cast %get3A_296 : vector<1x1x32xf32> to vector<1x32xf32>
    %broadcast_in_dim3A_298 = arith.constant 0.000000e+00 : f32
    %broadcast_in_dim3A_299 = vector.broadcast %broadcast_in_dim3A_298 : f32 to vector<3x32xf32>
    %slice3A_300 = vector.extract_strided_slice %get3A_288 {offsets = [0, 0], sizes = [1, 32], strides = [1, 1]} : vector<4x32xf32> to vector<1x32xf32>
    %slice3A_301 = vector.extract_strided_slice %get3A_288 {offsets = [1, 0], sizes = [1, 32], strides = [1, 1]} : vector<4x32xf32> to vector<1x32xf32>
    %concatenate3A_302 = tpu.concatenate %slice3A_300, %slice3A_301, %log3A_290, %log3A_292, %get3A_297, %broadcast_in_dim3A_299 in 0 : vector<1x32xf32>, vector<1x32xf32>, vector<1x32xf32>, vector<1x32xf32>, vector<1x32xf32>, vector<3x32xf32> -> vector<8x32xf32>
    %dot_general3A_303 = arith.constant dense<0.000000e+00> : vector<8x8732xf32>
    %dot_general3A_304 = tpu.matmul %concatenate3A_302, %convert_element_type3A_283, %dot_general3A_303 {dimension_numbers = #tpu.dot_dimension_numbers<[1], [0], [0], [1], [0, 0, 1, 1], [], []>, transpose_lhs_hint = false} : vector<8x32xf32>, vector<32x8732xf32>, vector<8x8732xf32> -> vector<8x8732xf32>
    %slice3A_305 = vector.extract_strided_slice %dot_general3A_304 {offsets = [4, 0], sizes = [1, 8732], strides = [1, 1]} : vector<8x8732xf32> to vector<1x8732xf32>
    %slice3A_306 = vector.extract_strided_slice %dot_general3A_304 {offsets = [0, 0], sizes = [4, 8732], strides = [1, 1]} : vector<8x8732xf32> to vector<4x8732xf32>
    %get3A_307 = arith.constant 5 : index
    %get3A_308 = arith.constant 0 : index
    %get3A_309 = vector.load %arg1[%get3A_307, %get3A_308] : memref<17x8732xf32, #tpu.memory_space<vmem>>, vector<4x8732xf32>
    %sub3A_310 = arith.subf %slice3A_306, %get3A_309 : vector<4x8732xf32>
    %get3A_311 = arith.constant 9 : index
    %get3A_312 = arith.constant 0 : index
    %get3A_313 = vector.load %arg1[%get3A_311, %get3A_312] : memref<17x8732xf32, #tpu.memory_space<vmem>>, vector<4x8732xf32>
    %mul3A_314 = arith.mulf %sub3A_310, %get3A_313 : vector<4x8732xf32>
    %get3A_315 = arith.constant 13 : index
    %get3A_316 = arith.constant 0 : index
    %get3A_317 = vector.load %arg1[%get3A_315, %get3A_316] : memref<17x8732xf32, #tpu.memory_space<vmem>>, vector<4x8732xf32>
    %add3A_318 = arith.addf %mul3A_314, %get3A_317 : vector<4x8732xf32>
    %get3A_319 = arith.constant 1 : index
    %get3A_320 = arith.constant 0 : index
    %get3A_321 = arith.constant 0 : index
    %get3A_322 = vector.load %arg2[%get3A_319, %get3A_320, %get3A_321] : memref<4x25x8732xf32, #tpu.memory_space<vmem>>, vector<1x4x8732xf32>
    %get3A_323 = vector.shape_cast %get3A_322 : vector<1x4x8732xf32> to vector<4x8732xf32>
    %sub3A_324 = arith.subf %get3A_323, %add3A_318 : vector<4x8732xf32>
    %abs3A_325 = math.absf %sub3A_324 : vector<4x8732xf32>
    %lt3A_326 = arith.constant 1.000000e+00 : f32
    %lt3A_327 = vector.broadcast %lt3A_326 : f32 to vector<4x8732xf32>
    %lt3A_328 = arith.cmpf olt, %abs3A_325, %lt3A_327 : vector<4x8732xf32>
    %mul3A_329 = arith.constant 5.000000e-01 : f32
    %mul3A_330 = vector.broadcast %mul3A_329 : f32 to vector<4x8732xf32>
    %mul3A_331 = arith.mulf %mul3A_330, %sub3A_324 : vector<4x8732xf32>
    %mul3A_332 = arith.mulf %mul3A_331, %sub3A_324 : vector<4x8732xf32>
    %sub3A_333 = arith.constant 5.000000e-01 : f32
    %sub3A_334 = vector.broadcast %sub3A_333 : f32 to vector<4x8732xf32>
    %sub3A_335 = arith.subf %abs3A_325, %sub3A_334 : vector<4x8732xf32>
    %select_n3A_336 = arith.select %lt3A_328, %mul3A_332, %sub3A_335 : vector<4x8732xi1>, vector<4x8732xf32>
    %mul3A_337 = vector.broadcast %convert_element_type3A_273 : vector<1x8732xf32> to vector<4x8732xf32>
    %mul3A_338 = arith.mulf %select_n3A_336, %mul3A_337 : vector<4x8732xf32>
    %reduce_sum3A_339 = vector.shape_cast %mul3A_338 : vector<4x8732xf32> to vector<1x4x8732xf32>
    %reduce_sum3A_340 = arith.constant dense<0.000000e+00> : vector<1xf32>
    %reduce_sum3A_341 = vector.multi_reduction <add>, %reduce_sum3A_339, %reduce_sum3A_340 [1, 2] : vector<1x4x8732xf32> to vector<1xf32>
    %reduce_sum3A_342 = vector.shape_cast %reduce_sum3A_341 : vector<1xf32> to vector<1x1x1xf32>
    %reduce_sum3A_343 = vector.extract %reduce_sum3A_342[0, 0, 0] : f32 from vector<1x1x1xf32>
    %get3A_344 = arith.constant 1 : index
    %get3A_345 = arith.constant 4 : index
    %get3A_346 = arith.constant 0 : index
    %get3A_347 = vector.load %arg2[%get3A_344, %get3A_345, %get3A_346] : memref<4x25x8732xf32, #tpu.memory_space<vmem>>, vector<1x21x8732xf32>
    %get3A_348 = vector.shape_cast %get3A_347 : vector<1x21x8732xf32> to vector<21x8732xf32>
    %reduce_max3A_349 = arith.constant dense<0xFF800000> : vector<8732xf32>
    %reduce_max3A_350 = vector.multi_reduction <maximumf>, %get3A_348, %reduce_max3A_349 [0] : vector<21x8732xf32> to vector<8732xf32>
    %broadcast_in_dim3A_351 = vector.shape_cast %reduce_max3A_350 : vector<8732xf32> to vector<1x8732xf32>
    %sub3A_352 = vector.broadcast %broadcast_in_dim3A_351 : vector<1x8732xf32> to vector<21x8732xf32>
    %sub3A_353 = arith.subf %get3A_348, %sub3A_352 : vector<21x8732xf32>
    %exp3A_354 = math.exp %sub3A_353 : vector<21x8732xf32>
    %reduce_sum3A_355 = arith.constant dense<0.000000e+00> : vector<8732xf32>
    %reduce_sum3A_356 = vector.multi_reduction <add>, %exp3A_354, %reduce_sum3A_355 [0] : vector<21x8732xf32> to vector<8732xf32>
    %broadcast_in_dim3A_357 = vector.shape_cast %reduce_sum3A_356 : vector<8732xf32> to vector<1x8732xf32>
    %log3A_358 = math.log %broadcast_in_dim3A_357 : vector<1x8732xf32>
    %add3A_359 = arith.addf %broadcast_in_dim3A_351, %log3A_358 : vector<1x8732xf32>
    %iota3A_360 = tpu.iota {dimensions = array<i32: 0>} : vector<21x1xi32>
    %convert_element_type3A_361 = arith.sitofp %iota3A_360 : vector<21x1xi32> to vector<21x1xf32>
    %eq3A_362 = vector.broadcast %slice3A_305 : vector<1x8732xf32> to vector<21x8732xf32>
    %eq3A_363 = vector.broadcast %convert_element_type3A_361 : vector<21x1xf32> to vector<21x8732xf32>
    %eq3A_364 = arith.cmpf oeq, %eq3A_362, %eq3A_363 : vector<21x8732xf32>
    %convert_element_type3A_365 = arith.extui %eq3A_364 : vector<21x8732xi1> to vector<21x8732xi32>
    %convert_element_type3A_366 = arith.sitofp %convert_element_type3A_365 : vector<21x8732xi32> to vector<21x8732xf32>
    %mul3A_367 = vector.broadcast %convert_element_type3A_273 : vector<1x8732xf32> to vector<21x8732xf32>
    %mul3A_368 = arith.mulf %convert_element_type3A_366, %mul3A_367 : vector<21x8732xf32>
    %mul3A_369 = arith.mulf %mul3A_368, %get3A_348 : vector<21x8732xf32>
    %reduce_sum3A_370 = vector.shape_cast %mul3A_369 : vector<21x8732xf32> to vector<1x21x8732xf32>
    %reduce_sum3A_371 = arith.constant dense<0.000000e+00> : vector<1xf32>
    %reduce_sum3A_372 = vector.multi_reduction <add>, %reduce_sum3A_370, %reduce_sum3A_371 [1, 2] : vector<1x21x8732xf32> to vector<1xf32>
    %reduce_sum3A_373 = vector.shape_cast %reduce_sum3A_372 : vector<1xf32> to vector<1x1x1xf32>
    %reduce_sum3A_374 = vector.extract %reduce_sum3A_373[0, 0, 0] : f32 from vector<1x1x1xf32>
    %mul3A_375 = arith.mulf %add3A_359, %convert_element_type3A_273 : vector<1x8732xf32>
    %reduce_sum3A_376 = vector.shape_cast %mul3A_375 : vector<1x8732xf32> to vector<1x1x8732xf32>
    %reduce_sum3A_377 = arith.constant dense<0.000000e+00> : vector<1xf32>
    %reduce_sum3A_378 = vector.multi_reduction <add>, %reduce_sum3A_376, %reduce_sum3A_377 [1, 2] : vector<1x1x8732xf32> to vector<1xf32>
    %reduce_sum3A_379 = vector.shape_cast %reduce_sum3A_378 : vector<1xf32> to vector<1x1x1xf32>
    %reduce_sum3A_380 = vector.extract %reduce_sum3A_379[0, 0, 0] : f32 from vector<1x1x1xf32>
    %sub3A_381 = arith.subf %reduce_sum3A_380, %reduce_sum3A_374 : f32
    %get3A_382 = arith.constant 1 : index
    %get3A_383 = arith.constant 4 : index
    %get3A_384 = arith.constant 0 : index
    %get3A_385 = vector.load %arg2[%get3A_382, %get3A_383, %get3A_384] : memref<4x25x8732xf32, #tpu.memory_space<vmem>>, vector<1x1x8732xf32>
    %get3A_386 = vector.shape_cast %get3A_385 : vector<1x1x8732xf32> to vector<1x8732xf32>
    %sub3A_387 = arith.subf %add3A_359, %get3A_386 : vector<1x8732xf32>
    %bitcast_convert_type3A_388 = tpu.bitcast %sub3A_387 : vector<1x8732xf32> -> vector<1x8732xi32>
    %jit3A_389 = arith.constant -1 : i32
    %broadcast_in_dim3A_390 = vector.broadcast %jit3A_389 : i32 to vector<1x8732xi32>
    %select_n3A_391 = arith.select %gt3A_271, %broadcast_in_dim3A_390, %bitcast_convert_type3A_388 : vector<1x8732xi1>, vector<1x8732xi32>
    %swap3A_392 = arith.constant 1 : index
    %swap3A_393 = arith.constant 0 : index
    %swap3A_394 = arith.constant 0 : index
    %swap3A_395 = vector.load %arg6[%swap3A_392, %swap3A_393, %swap3A_394] : memref<4x1x8732xi32, #tpu.memory_space<vmem>>, vector<1x1x8732xi32>
    %swap3A_396 = vector.shape_cast %swap3A_395 : vector<1x1x8732xi32> to vector<1x8732xi32>
    %swap3A_397 = vector.shape_cast %select_n3A_391 : vector<1x8732xi32> to vector<1x1x8732xi32>
    tpu.vector_store %arg6[%swap3A_392, %swap3A_393, %swap3A_394], %swap3A_397 {strides = array<i32>} : memref<4x1x8732xi32, #tpu.memory_space<vmem>>, vector<1x1x8732xi32>,
    %add3A_398 = arith.addf %reduce_sum3A_343, %sub3A_381 : f32
    %add3A_399 = arith.addf %add3A_185, %add3A_398 : f32
    %add3A_400 = arith.addi %reduce_sum3A_76, %reduce_sum3A_279 : i32
    %get3A_401 = arith.constant 0 : index
    %get3A_402 = arith.constant 0 : index
    %get3A_403 = vector.load %arg1[%get3A_401, %get3A_402] : memref<17x8732xf32, #tpu.memory_space<vmem>>, vector<1x8732xf32>
    %get3A_404 = arith.constant 1 : index
    %get3A_405 = arith.constant 0 : index
    %get3A_406 = vector.load %arg1[%get3A_404, %get3A_405] : memref<17x8732xf32, #tpu.memory_space<vmem>>, vector<1x8732xf32>
    %get3A_407 = arith.constant 2 : index
    %get3A_408 = arith.constant 0 : index
    %get3A_409 = vector.load %arg1[%get3A_407, %get3A_408] : memref<17x8732xf32, #tpu.memory_space<vmem>>, vector<1x8732xf32>
    %get3A_410 = arith.constant 3 : index
    %get3A_411 = arith.constant 0 : index
    %get3A_412 = vector.load %arg1[%get3A_410, %get3A_411] : memref<17x8732xf32, #tpu.memory_space<vmem>>, vector<1x8732xf32>
    %get3A_413 = arith.constant 4 : index
    %get3A_414 = arith.constant 0 : index
    %get3A_415 = vector.load %arg1[%get3A_413, %get3A_414] : memref<17x8732xf32, #tpu.memory_space<vmem>>, vector<1x8732xf32>
    %get3A_416 = arith.constant 2 : index
    %get3A_417 = arith.constant 0 : index
    %get3A_418 = arith.constant 0 : index
    %get3A_419 = vector.load %arg4[%get3A_416, %get3A_417, %get3A_418] : memref<4x32x4xf32, #tpu.memory_space<vmem>>, vector<1x32x4xf32>
    %get3A_420 = vector.shape_cast %get3A_419 : vector<1x32x4xf32> to vector<32x4xf32>
    %slice3A_421 = vector.extract_strided_slice %get3A_420 {offsets = [0, 0], sizes = [32, 1], strides = [1, 1]} : vector<32x4xf32> to vector<32x1xf32>
    %slice3A_422 = vector.extract_strided_slice %get3A_420 {offsets = [0, 1], sizes = [32, 1], strides = [1, 1]} : vector<32x4xf32> to vector<32x1xf32>
    %slice3A_423 = vector.extract_strided_slice %get3A_420 {offsets = [0, 2], sizes = [32, 1], strides = [1, 1]} : vector<32x4xf32> to vector<32x1xf32>
    %slice3A_424 = vector.extract_strided_slice %get3A_420 {offsets = [0, 3], sizes = [32, 1], strides = [1, 1]} : vector<32x4xf32> to vector<32x1xf32>
    %mul3A_425 = arith.constant 5.000000e-01 : f32
    %mul3A_426 = vector.broadcast %mul3A_425 : f32 to vector<32x1xf32>
    %mul3A_427 = arith.mulf %slice3A_423, %mul3A_426 : vector<32x1xf32>
    %sub3A_428 = arith.subf %slice3A_421, %mul3A_427 : vector<32x1xf32>
    %mul3A_429 = arith.constant 5.000000e-01 : f32
    %mul3A_430 = vector.broadcast %mul3A_429 : f32 to vector<32x1xf32>
    %mul3A_431 = arith.mulf %slice3A_424, %mul3A_430 : vector<32x1xf32>
    %sub3A_432 = arith.subf %slice3A_422, %mul3A_431 : vector<32x1xf32>
    %mul3A_433 = arith.constant 5.000000e-01 : f32
    %mul3A_434 = vector.broadcast %mul3A_433 : f32 to vector<32x1xf32>
    %mul3A_435 = arith.mulf %slice3A_423, %mul3A_434 : vector<32x1xf32>
    %add3A_436 = arith.addf %slice3A_421, %mul3A_435 : vector<32x1xf32>
    %mul3A_437 = arith.constant 5.000000e-01 : f32
    %mul3A_438 = vector.broadcast %mul3A_437 : f32 to vector<32x1xf32>
    %mul3A_439 = arith.mulf %slice3A_424, %mul3A_438 : vector<32x1xf32>
    %add3A_440 = arith.addf %slice3A_422, %mul3A_439 : vector<32x1xf32>
    %mul3A_441 = arith.mulf %slice3A_423, %slice3A_424 : vector<32x1xf32>
    %max3A_442 = vector.broadcast %sub3A_428 : vector<32x1xf32> to vector<32x8732xf32>
    %max3A_443 = vector.broadcast %get3A_403 : vector<1x8732xf32> to vector<32x8732xf32>
    %max3A_444 = arith.maximumf %max3A_442, %max3A_443 : vector<32x8732xf32>
    %max3A_445 = vector.broadcast %sub3A_432 : vector<32x1xf32> to vector<32x8732xf32>
    %max3A_446 = vector.broadcast %get3A_406 : vector<1x8732xf32> to vector<32x8732xf32>
    %max3A_447 = arith.maximumf %max3A_445, %max3A_446 : vector<32x8732xf32>
    %min3A_448 = vector.broadcast %add3A_436 : vector<32x1xf32> to vector<32x8732xf32>
    %min3A_449 = vector.broadcast %get3A_409 : vector<1x8732xf32> to vector<32x8732xf32>
    %min3A_450 = arith.minimumf %min3A_448, %min3A_449 : vector<32x8732xf32>
    %min3A_451 = vector.broadcast %add3A_440 : vector<32x1xf32> to vector<32x8732xf32>
    %min3A_452 = vector.broadcast %get3A_412 : vector<1x8732xf32> to vector<32x8732xf32>
    %min3A_453 = arith.minimumf %min3A_451, %min3A_452 : vector<32x8732xf32>
    %sub3A_454 = arith.subf %min3A_450, %max3A_444 : vector<32x8732xf32>
    %max3A_455 = arith.constant 0.000000e+00 : f32
    %max3A_456 = vector.broadcast %max3A_455 : f32 to vector<32x8732xf32>
    %max3A_457 = arith.maximumf %sub3A_454, %max3A_456 : vector<32x8732xf32>
    %sub3A_458 = arith.subf %min3A_453, %max3A_447 : vector<32x8732xf32>
    %max3A_459 = arith.constant 0.000000e+00 : f32
    %max3A_460 = vector.broadcast %max3A_459 : f32 to vector<32x8732xf32>
    %max3A_461 = arith.maximumf %sub3A_458, %max3A_460 : vector<32x8732xf32>
    %mul3A_462 = arith.mulf %max3A_457, %max3A_461 : vector<32x8732xf32>
    %add3A_463 = vector.broadcast %mul3A_441 : vector<32x1xf32> to vector<32x8732xf32>
    %add3A_464 = vector.broadcast %get3A_415 : vector<1x8732xf32> to vector<32x8732xf32>
    %add3A_465 = arith.addf %add3A_463, %add3A_464 : vector<32x8732xf32>
    %div3A_466 = arith.divf %mul3A_462, %add3A_465 : vector<32x8732xf32>
    %iota3A_467 = tpu.iota {dimensions = array<i32: 0>} : vector<32x1xi32>
    %sub3A_468 = arith.constant 31 : i32
    %sub3A_469 = vector.broadcast %sub3A_468 : i32 to vector<32x1xi32>
    %sub3A_470 = arith.subi %sub3A_469, %iota3A_467 : vector<32x1xi32>
    %bitcast_convert_type3A_471 = tpu.bitcast %div3A_466 : vector<32x8732xf32> -> vector<32x8732xi32>
    %and3A_472 = arith.constant -32 : i32
    %and3A_473 = vector.broadcast %and3A_472 : i32 to vector<32x8732xi32>
    %and3A_474 = arith.andi %bitcast_convert_type3A_471, %and3A_473 : vector<32x8732xi32>
    %or3A_475 = vector.broadcast %sub3A_470 : vector<32x1xi32> to vector<32x8732xi32>
    %or3A_476 = arith.ori %and3A_474, %or3A_475 : vector<32x8732xi32>
    %reduce_max3A_477 = arith.constant dense<-2147483648> : vector<8732xi32>
    %reduce_max3A_478 = vector.multi_reduction <maxsi>, %or3A_476, %reduce_max3A_477 [0] : vector<32x8732xi32> to vector<8732xi32>
    %broadcast_in_dim3A_479 = vector.shape_cast %reduce_max3A_478 : vector<8732xi32> to vector<1x8732xi32>
    %and3A_480 = arith.constant -32 : i32
    %and3A_481 = vector.broadcast %and3A_480 : i32 to vector<1x8732xi32>
    %and3A_482 = arith.andi %broadcast_in_dim3A_479, %and3A_481 : vector<1x8732xi32>
    %bitcast_convert_type3A_483 = tpu.bitcast %and3A_482 : vector<1x8732xi32> -> vector<1x8732xf32>
    %gt3A_484 = arith.constant 0.333333343 : f32
    %gt3A_485 = vector.broadcast %gt3A_484 : f32 to vector<1x8732xf32>
    %gt3A_486 = arith.cmpf ogt, %bitcast_convert_type3A_483, %gt3A_485 : vector<1x8732xf32>
    %convert_element_type3A_487 = arith.extui %gt3A_486 : vector<1x8732xi1> to vector<1x8732xi32>
    %convert_element_type3A_488 = arith.sitofp %convert_element_type3A_487 : vector<1x8732xi32> to vector<1x8732xf32>
    %convert_element_type3A_489 = arith.extui %gt3A_486 : vector<1x8732xi1> to vector<1x8732xi32>
    %reduce_sum3A_490 = vector.shape_cast %convert_element_type3A_489 : vector<1x8732xi32> to vector<1x1x8732xi32>
    %reduce_sum3A_491 = arith.constant dense<0> : vector<1xi32>
    %reduce_sum3A_492 = vector.multi_reduction <add>, %reduce_sum3A_490, %reduce_sum3A_491 [1, 2] : vector<1x1x8732xi32> to vector<1xi32>
    %reduce_sum3A_493 = vector.shape_cast %reduce_sum3A_492 : vector<1xi32> to vector<1x1x1xi32>
    %reduce_sum3A_494 = vector.extract %reduce_sum3A_493[0, 0, 0] : i32 from vector<1x1x1xi32>
    %eq3A_495 = vector.broadcast %broadcast_in_dim3A_479 : vector<1x8732xi32> to vector<32x8732xi32>
    %eq3A_496 = arith.cmpi eq, %or3A_476, %eq3A_495 : vector<32x8732xi32>
    %convert_element_type3A_497 = arith.extui %eq3A_496 : vector<32x8732xi1> to vector<32x8732xi32>
    %convert_element_type3A_498 = arith.sitofp %convert_element_type3A_497 : vector<32x8732xi32> to vector<32x8732xf32>
    %get3A_499 = arith.constant 2 : index
    %get3A_500 = arith.constant 0 : index
    %get3A_501 = arith.constant 0 : index
    %get3A_502 = vector.load %arg3[%get3A_499, %get3A_500, %get3A_501] : memref<4x4x32xf32, #tpu.memory_space<vmem>>, vector<1x4x32xf32>
    %get3A_503 = vector.shape_cast %get3A_502 : vector<1x4x32xf32> to vector<4x32xf32>
    %slice3A_504 = vector.extract_strided_slice %get3A_503 {offsets = [2, 0], sizes = [1, 32], strides = [1, 1]} : vector<4x32xf32> to vector<1x32xf32>
    %log3A_505 = math.log %slice3A_504 : vector<1x32xf32>
    %slice3A_506 = vector.extract_strided_slice %get3A_503 {offsets = [3, 0], sizes = [1, 32], strides = [1, 1]} : vector<4x32xf32> to vector<1x32xf32>
    %log3A_507 = math.log %slice3A_506 : vector<1x32xf32>
    %get3A_508 = arith.constant 2 : index
    %get3A_509 = arith.constant 0 : index
    %get3A_510 = arith.constant 0 : index
    %get3A_511 = vector.load %arg5[%get3A_508, %get3A_509, %get3A_510] : memref<4x1x32xf32, #tpu.memory_space<vmem>>, vector<1x1x32xf32>
    %get3A_512 = vector.shape_cast %get3A_511 : vector<1x1x32xf32> to vector<1x32xf32>
    %broadcast_in_dim3A_513 = arith.constant 0.000000e+00 : f32
    %broadcast_in_dim3A_514 = vector.broadcast %broadcast_in_dim3A_513 : f32 to vector<3x32xf32>
    %slice3A_515 = vector.extract_strided_slice %get3A_503 {offsets = [0, 0], sizes = [1, 32], strides = [1, 1]} : vector<4x32xf32> to vector<1x32xf32>
    %slice3A_516 = vector.extract_strided_slice %get3A_503 {offsets = [1, 0], sizes = [1, 32], strides = [1, 1]} : vector<4x32xf32> to vector<1x32xf32>
    %concatenate3A_517 = tpu.concatenate %slice3A_515, %slice3A_516, %log3A_505, %log3A_507, %get3A_512, %broadcast_in_dim3A_514 in 0 : vector<1x32xf32>, vector<1x32xf32>, vector<1x32xf32>, vector<1x32xf32>, vector<1x32xf32>, vector<3x32xf32> -> vector<8x32xf32>
    %dot_general3A_518 = arith.constant dense<0.000000e+00> : vector<8x8732xf32>
    %dot_general3A_519 = tpu.matmul %concatenate3A_517, %convert_element_type3A_498, %dot_general3A_518 {dimension_numbers = #tpu.dot_dimension_numbers<[1], [0], [0], [1], [0, 0, 1, 1], [], []>, transpose_lhs_hint = false} : vector<8x32xf32>, vector<32x8732xf32>, vector<8x8732xf32> -> vector<8x8732xf32>
    %slice3A_520 = vector.extract_strided_slice %dot_general3A_519 {offsets = [4, 0], sizes = [1, 8732], strides = [1, 1]} : vector<8x8732xf32> to vector<1x8732xf32>
    %slice3A_521 = vector.extract_strided_slice %dot_general3A_519 {offsets = [0, 0], sizes = [4, 8732], strides = [1, 1]} : vector<8x8732xf32> to vector<4x8732xf32>
    %get3A_522 = arith.constant 5 : index
    %get3A_523 = arith.constant 0 : index
    %get3A_524 = vector.load %arg1[%get3A_522, %get3A_523] : memref<17x8732xf32, #tpu.memory_space<vmem>>, vector<4x8732xf32>
    %sub3A_525 = arith.subf %slice3A_521, %get3A_524 : vector<4x8732xf32>
    %get3A_526 = arith.constant 9 : index
    %get3A_527 = arith.constant 0 : index
    %get3A_528 = vector.load %arg1[%get3A_526, %get3A_527] : memref<17x8732xf32, #tpu.memory_space<vmem>>, vector<4x8732xf32>
    %mul3A_529 = arith.mulf %sub3A_525, %get3A_528 : vector<4x8732xf32>
    %get3A_530 = arith.constant 13 : index
    %get3A_531 = arith.constant 0 : index
    %get3A_532 = vector.load %arg1[%get3A_530, %get3A_531] : memref<17x8732xf32, #tpu.memory_space<vmem>>, vector<4x8732xf32>
    %add3A_533 = arith.addf %mul3A_529, %get3A_532 : vector<4x8732xf32>
    %get3A_534 = arith.constant 2 : index
    %get3A_535 = arith.constant 0 : index
    %get3A_536 = arith.constant 0 : index
    %get3A_537 = vector.load %arg2[%get3A_534, %get3A_535, %get3A_536] : memref<4x25x8732xf32, #tpu.memory_space<vmem>>, vector<1x4x8732xf32>
    %get3A_538 = vector.shape_cast %get3A_537 : vector<1x4x8732xf32> to vector<4x8732xf32>
    %sub3A_539 = arith.subf %get3A_538, %add3A_533 : vector<4x8732xf32>
    %abs3A_540 = math.absf %sub3A_539 : vector<4x8732xf32>
    %lt3A_541 = arith.constant 1.000000e+00 : f32
    %lt3A_542 = vector.broadcast %lt3A_541 : f32 to vector<4x8732xf32>
    %lt3A_543 = arith.cmpf olt, %abs3A_540, %lt3A_542 : vector<4x8732xf32>
    %mul3A_544 = arith.constant 5.000000e-01 : f32
    %mul3A_545 = vector.broadcast %mul3A_544 : f32 to vector<4x8732xf32>
    %mul3A_546 = arith.mulf %mul3A_545, %sub3A_539 : vector<4x8732xf32>
    %mul3A_547 = arith.mulf %mul3A_546, %sub3A_539 : vector<4x8732xf32>
    %sub3A_548 = arith.constant 5.000000e-01 : f32
    %sub3A_549 = vector.broadcast %sub3A_548 : f32 to vector<4x8732xf32>
    %sub3A_550 = arith.subf %abs3A_540, %sub3A_549 : vector<4x8732xf32>
    %select_n3A_551 = arith.select %lt3A_543, %mul3A_547, %sub3A_550 : vector<4x8732xi1>, vector<4x8732xf32>
    %mul3A_552 = vector.broadcast %convert_element_type3A_488 : vector<1x8732xf32> to vector<4x8732xf32>
    %mul3A_553 = arith.mulf %select_n3A_551, %mul3A_552 : vector<4x8732xf32>
    %reduce_sum3A_554 = vector.shape_cast %mul3A_553 : vector<4x8732xf32> to vector<1x4x8732xf32>
    %reduce_sum3A_555 = arith.constant dense<0.000000e+00> : vector<1xf32>
    %reduce_sum3A_556 = vector.multi_reduction <add>, %reduce_sum3A_554, %reduce_sum3A_555 [1, 2] : vector<1x4x8732xf32> to vector<1xf32>
    %reduce_sum3A_557 = vector.shape_cast %reduce_sum3A_556 : vector<1xf32> to vector<1x1x1xf32>
    %reduce_sum3A_558 = vector.extract %reduce_sum3A_557[0, 0, 0] : f32 from vector<1x1x1xf32>
    %get3A_559 = arith.constant 2 : index
    %get3A_560 = arith.constant 4 : index
    %get3A_561 = arith.constant 0 : index
    %get3A_562 = vector.load %arg2[%get3A_559, %get3A_560, %get3A_561] : memref<4x25x8732xf32, #tpu.memory_space<vmem>>, vector<1x21x8732xf32>
    %get3A_563 = vector.shape_cast %get3A_562 : vector<1x21x8732xf32> to vector<21x8732xf32>
    %reduce_max3A_564 = arith.constant dense<0xFF800000> : vector<8732xf32>
    %reduce_max3A_565 = vector.multi_reduction <maximumf>, %get3A_563, %reduce_max3A_564 [0] : vector<21x8732xf32> to vector<8732xf32>
    %broadcast_in_dim3A_566 = vector.shape_cast %reduce_max3A_565 : vector<8732xf32> to vector<1x8732xf32>
    %sub3A_567 = vector.broadcast %broadcast_in_dim3A_566 : vector<1x8732xf32> to vector<21x8732xf32>
    %sub3A_568 = arith.subf %get3A_563, %sub3A_567 : vector<21x8732xf32>
    %exp3A_569 = math.exp %sub3A_568 : vector<21x8732xf32>
    %reduce_sum3A_570 = arith.constant dense<0.000000e+00> : vector<8732xf32>
    %reduce_sum3A_571 = vector.multi_reduction <add>, %exp3A_569, %reduce_sum3A_570 [0] : vector<21x8732xf32> to vector<8732xf32>
    %broadcast_in_dim3A_572 = vector.shape_cast %reduce_sum3A_571 : vector<8732xf32> to vector<1x8732xf32>
    %log3A_573 = math.log %broadcast_in_dim3A_572 : vector<1x8732xf32>
    %add3A_574 = arith.addf %broadcast_in_dim3A_566, %log3A_573 : vector<1x8732xf32>
    %iota3A_575 = tpu.iota {dimensions = array<i32: 0>} : vector<21x1xi32>
    %convert_element_type3A_576 = arith.sitofp %iota3A_575 : vector<21x1xi32> to vector<21x1xf32>
    %eq3A_577 = vector.broadcast %slice3A_520 : vector<1x8732xf32> to vector<21x8732xf32>
    %eq3A_578 = vector.broadcast %convert_element_type3A_576 : vector<21x1xf32> to vector<21x8732xf32>
    %eq3A_579 = arith.cmpf oeq, %eq3A_577, %eq3A_578 : vector<21x8732xf32>
    %convert_element_type3A_580 = arith.extui %eq3A_579 : vector<21x8732xi1> to vector<21x8732xi32>
    %convert_element_type3A_581 = arith.sitofp %convert_element_type3A_580 : vector<21x8732xi32> to vector<21x8732xf32>
    %mul3A_582 = vector.broadcast %convert_element_type3A_488 : vector<1x8732xf32> to vector<21x8732xf32>
    %mul3A_583 = arith.mulf %convert_element_type3A_581, %mul3A_582 : vector<21x8732xf32>
    %mul3A_584 = arith.mulf %mul3A_583, %get3A_563 : vector<21x8732xf32>
    %reduce_sum3A_585 = vector.shape_cast %mul3A_584 : vector<21x8732xf32> to vector<1x21x8732xf32>
    %reduce_sum3A_586 = arith.constant dense<0.000000e+00> : vector<1xf32>
    %reduce_sum3A_587 = vector.multi_reduction <add>, %reduce_sum3A_585, %reduce_sum3A_586 [1, 2] : vector<1x21x8732xf32> to vector<1xf32>
    %reduce_sum3A_588 = vector.shape_cast %reduce_sum3A_587 : vector<1xf32> to vector<1x1x1xf32>
    %reduce_sum3A_589 = vector.extract %reduce_sum3A_588[0, 0, 0] : f32 from vector<1x1x1xf32>
    %mul3A_590 = arith.mulf %add3A_574, %convert_element_type3A_488 : vector<1x8732xf32>
    %reduce_sum3A_591 = vector.shape_cast %mul3A_590 : vector<1x8732xf32> to vector<1x1x8732xf32>
    %reduce_sum3A_592 = arith.constant dense<0.000000e+00> : vector<1xf32>
    %reduce_sum3A_593 = vector.multi_reduction <add>, %reduce_sum3A_591, %reduce_sum3A_592 [1, 2] : vector<1x1x8732xf32> to vector<1xf32>
    %reduce_sum3A_594 = vector.shape_cast %reduce_sum3A_593 : vector<1xf32> to vector<1x1x1xf32>
    %reduce_sum3A_595 = vector.extract %reduce_sum3A_594[0, 0, 0] : f32 from vector<1x1x1xf32>
    %sub3A_596 = arith.subf %reduce_sum3A_595, %reduce_sum3A_589 : f32
    %get3A_597 = arith.constant 2 : index
    %get3A_598 = arith.constant 4 : index
    %get3A_599 = arith.constant 0 : index
    %get3A_600 = vector.load %arg2[%get3A_597, %get3A_598, %get3A_599] : memref<4x25x8732xf32, #tpu.memory_space<vmem>>, vector<1x1x8732xf32>
    %get3A_601 = vector.shape_cast %get3A_600 : vector<1x1x8732xf32> to vector<1x8732xf32>
    %sub3A_602 = arith.subf %add3A_574, %get3A_601 : vector<1x8732xf32>
    %bitcast_convert_type3A_603 = tpu.bitcast %sub3A_602 : vector<1x8732xf32> -> vector<1x8732xi32>
    %jit3A_604 = arith.constant -1 : i32
    %broadcast_in_dim3A_605 = vector.broadcast %jit3A_604 : i32 to vector<1x8732xi32>
    %select_n3A_606 = arith.select %gt3A_486, %broadcast_in_dim3A_605, %bitcast_convert_type3A_603 : vector<1x8732xi1>, vector<1x8732xi32>
    %swap3A_607 = arith.constant 2 : index
    %swap3A_608 = arith.constant 0 : index
    %swap3A_609 = arith.constant 0 : index
    %swap3A_610 = vector.load %arg6[%swap3A_607, %swap3A_608, %swap3A_609] : memref<4x1x8732xi32, #tpu.memory_space<vmem>>, vector<1x1x8732xi32>
    %swap3A_611 = vector.shape_cast %swap3A_610 : vector<1x1x8732xi32> to vector<1x8732xi32>
    %swap3A_612 = vector.shape_cast %select_n3A_606 : vector<1x8732xi32> to vector<1x1x8732xi32>
    tpu.vector_store %arg6[%swap3A_607, %swap3A_608, %swap3A_609], %swap3A_612 {strides = array<i32>} : memref<4x1x8732xi32, #tpu.memory_space<vmem>>, vector<1x1x8732xi32>,
    %add3A_613 = arith.addf %reduce_sum3A_558, %sub3A_596 : f32
    %add3A_614 = arith.addf %add3A_399, %add3A_613 : f32
    %add3A_615 = arith.addi %add3A_400, %reduce_sum3A_494 : i32
    %get3A_616 = arith.constant 0 : index
    %get3A_617 = arith.constant 0 : index
    %get3A_618 = vector.load %arg1[%get3A_616, %get3A_617] : memref<17x8732xf32, #tpu.memory_space<vmem>>, vector<1x8732xf32>
    %get3A_619 = arith.constant 1 : index
    %get3A_620 = arith.constant 0 : index
    %get3A_621 = vector.load %arg1[%get3A_619, %get3A_620] : memref<17x8732xf32, #tpu.memory_space<vmem>>, vector<1x8732xf32>
    %get3A_622 = arith.constant 2 : index
    %get3A_623 = arith.constant 0 : index
    %get3A_624 = vector.load %arg1[%get3A_622, %get3A_623] : memref<17x8732xf32, #tpu.memory_space<vmem>>, vector<1x8732xf32>
    %get3A_625 = arith.constant 3 : index
    %get3A_626 = arith.constant 0 : index
    %get3A_627 = vector.load %arg1[%get3A_625, %get3A_626] : memref<17x8732xf32, #tpu.memory_space<vmem>>, vector<1x8732xf32>
    %get3A_628 = arith.constant 4 : index
    %get3A_629 = arith.constant 0 : index
    %get3A_630 = vector.load %arg1[%get3A_628, %get3A_629] : memref<17x8732xf32, #tpu.memory_space<vmem>>, vector<1x8732xf32>
    %get3A_631 = arith.constant 3 : index
    %get3A_632 = arith.constant 0 : index
    %get3A_633 = arith.constant 0 : index
    %get3A_634 = vector.load %arg4[%get3A_631, %get3A_632, %get3A_633] : memref<4x32x4xf32, #tpu.memory_space<vmem>>, vector<1x32x4xf32>
    %get3A_635 = vector.shape_cast %get3A_634 : vector<1x32x4xf32> to vector<32x4xf32>
    %slice3A_636 = vector.extract_strided_slice %get3A_635 {offsets = [0, 0], sizes = [32, 1], strides = [1, 1]} : vector<32x4xf32> to vector<32x1xf32>
    %slice3A_637 = vector.extract_strided_slice %get3A_635 {offsets = [0, 1], sizes = [32, 1], strides = [1, 1]} : vector<32x4xf32> to vector<32x1xf32>
    %slice3A_638 = vector.extract_strided_slice %get3A_635 {offsets = [0, 2], sizes = [32, 1], strides = [1, 1]} : vector<32x4xf32> to vector<32x1xf32>
    %slice3A_639 = vector.extract_strided_slice %get3A_635 {offsets = [0, 3], sizes = [32, 1], strides = [1, 1]} : vector<32x4xf32> to vector<32x1xf32>
    %mul3A_640 = arith.constant 5.000000e-01 : f32
    %mul3A_641 = vector.broadcast %mul3A_640 : f32 to vector<32x1xf32>
    %mul3A_642 = arith.mulf %slice3A_638, %mul3A_641 : vector<32x1xf32>
    %sub3A_643 = arith.subf %slice3A_636, %mul3A_642 : vector<32x1xf32>
    %mul3A_644 = arith.constant 5.000000e-01 : f32
    %mul3A_645 = vector.broadcast %mul3A_644 : f32 to vector<32x1xf32>
    %mul3A_646 = arith.mulf %slice3A_639, %mul3A_645 : vector<32x1xf32>
    %sub3A_647 = arith.subf %slice3A_637, %mul3A_646 : vector<32x1xf32>
    %mul3A_648 = arith.constant 5.000000e-01 : f32
    %mul3A_649 = vector.broadcast %mul3A_648 : f32 to vector<32x1xf32>
    %mul3A_650 = arith.mulf %slice3A_638, %mul3A_649 : vector<32x1xf32>
    %add3A_651 = arith.addf %slice3A_636, %mul3A_650 : vector<32x1xf32>
    %mul3A_652 = arith.constant 5.000000e-01 : f32
    %mul3A_653 = vector.broadcast %mul3A_652 : f32 to vector<32x1xf32>
    %mul3A_654 = arith.mulf %slice3A_639, %mul3A_653 : vector<32x1xf32>
    %add3A_655 = arith.addf %slice3A_637, %mul3A_654 : vector<32x1xf32>
    %mul3A_656 = arith.mulf %slice3A_638, %slice3A_639 : vector<32x1xf32>
    %max3A_657 = vector.broadcast %sub3A_643 : vector<32x1xf32> to vector<32x8732xf32>
    %max3A_658 = vector.broadcast %get3A_618 : vector<1x8732xf32> to vector<32x8732xf32>
    %max3A_659 = arith.maximumf %max3A_657, %max3A_658 : vector<32x8732xf32>
    %max3A_660 = vector.broadcast %sub3A_647 : vector<32x1xf32> to vector<32x8732xf32>
    %max3A_661 = vector.broadcast %get3A_621 : vector<1x8732xf32> to vector<32x8732xf32>
    %max3A_662 = arith.maximumf %max3A_660, %max3A_661 : vector<32x8732xf32>
    %min3A_663 = vector.broadcast %add3A_651 : vector<32x1xf32> to vector<32x8732xf32>
    %min3A_664 = vector.broadcast %get3A_624 : vector<1x8732xf32> to vector<32x8732xf32>
    %min3A_665 = arith.minimumf %min3A_663, %min3A_664 : vector<32x8732xf32>
    %min3A_666 = vector.broadcast %add3A_655 : vector<32x1xf32> to vector<32x8732xf32>
    %min3A_667 = vector.broadcast %get3A_627 : vector<1x8732xf32> to vector<32x8732xf32>
    %min3A_668 = arith.minimumf %min3A_666, %min3A_667 : vector<32x8732xf32>
    %sub3A_669 = arith.subf %min3A_665, %max3A_659 : vector<32x8732xf32>
    %max3A_670 = arith.constant 0.000000e+00 : f32
    %max3A_671 = vector.broadcast %max3A_670 : f32 to vector<32x8732xf32>
    %max3A_672 = arith.maximumf %sub3A_669, %max3A_671 : vector<32x8732xf32>
    %sub3A_673 = arith.subf %min3A_668, %max3A_662 : vector<32x8732xf32>
    %max3A_674 = arith.constant 0.000000e+00 : f32
    %max3A_675 = vector.broadcast %max3A_674 : f32 to vector<32x8732xf32>
    %max3A_676 = arith.maximumf %sub3A_673, %max3A_675 : vector<32x8732xf32>
    %mul3A_677 = arith.mulf %max3A_672, %max3A_676 : vector<32x8732xf32>
    %add3A_678 = vector.broadcast %mul3A_656 : vector<32x1xf32> to vector<32x8732xf32>
    %add3A_679 = vector.broadcast %get3A_630 : vector<1x8732xf32> to vector<32x8732xf32>
    %add3A_680 = arith.addf %add3A_678, %add3A_679 : vector<32x8732xf32>
    %div3A_681 = arith.divf %mul3A_677, %add3A_680 : vector<32x8732xf32>
    %iota3A_682 = tpu.iota {dimensions = array<i32: 0>} : vector<32x1xi32>
    %sub3A_683 = arith.constant 31 : i32
    %sub3A_684 = vector.broadcast %sub3A_683 : i32 to vector<32x1xi32>
    %sub3A_685 = arith.subi %sub3A_684, %iota3A_682 : vector<32x1xi32>
    %bitcast_convert_type3A_686 = tpu.bitcast %div3A_681 : vector<32x8732xf32> -> vector<32x8732xi32>
    %and3A_687 = arith.constant -32 : i32
    %and3A_688 = vector.broadcast %and3A_687 : i32 to vector<32x8732xi32>
    %and3A_689 = arith.andi %bitcast_convert_type3A_686, %and3A_688 : vector<32x8732xi32>
    %or3A_690 = vector.broadcast %sub3A_685 : vector<32x1xi32> to vector<32x8732xi32>
    %or3A_691 = arith.ori %and3A_689, %or3A_690 : vector<32x8732xi32>
    %reduce_max3A_692 = arith.constant dense<-2147483648> : vector<8732xi32>
    %reduce_max3A_693 = vector.multi_reduction <maxsi>, %or3A_691, %reduce_max3A_692 [0] : vector<32x8732xi32> to vector<8732xi32>
    %broadcast_in_dim3A_694 = vector.shape_cast %reduce_max3A_693 : vector<8732xi32> to vector<1x8732xi32>
    %and3A_695 = arith.constant -32 : i32
    %and3A_696 = vector.broadcast %and3A_695 : i32 to vector<1x8732xi32>
    %and3A_697 = arith.andi %broadcast_in_dim3A_694, %and3A_696 : vector<1x8732xi32>
    %bitcast_convert_type3A_698 = tpu.bitcast %and3A_697 : vector<1x8732xi32> -> vector<1x8732xf32>
    %gt3A_699 = arith.constant 0.333333343 : f32
    %gt3A_700 = vector.broadcast %gt3A_699 : f32 to vector<1x8732xf32>
    %gt3A_701 = arith.cmpf ogt, %bitcast_convert_type3A_698, %gt3A_700 : vector<1x8732xf32>
    %convert_element_type3A_702 = arith.extui %gt3A_701 : vector<1x8732xi1> to vector<1x8732xi32>
    %convert_element_type3A_703 = arith.sitofp %convert_element_type3A_702 : vector<1x8732xi32> to vector<1x8732xf32>
    %convert_element_type3A_704 = arith.extui %gt3A_701 : vector<1x8732xi1> to vector<1x8732xi32>
    %reduce_sum3A_705 = vector.shape_cast %convert_element_type3A_704 : vector<1x8732xi32> to vector<1x1x8732xi32>
    %reduce_sum3A_706 = arith.constant dense<0> : vector<1xi32>
    %reduce_sum3A_707 = vector.multi_reduction <add>, %reduce_sum3A_705, %reduce_sum3A_706 [1, 2] : vector<1x1x8732xi32> to vector<1xi32>
    %reduce_sum3A_708 = vector.shape_cast %reduce_sum3A_707 : vector<1xi32> to vector<1x1x1xi32>
    %reduce_sum3A_709 = vector.extract %reduce_sum3A_708[0, 0, 0] : i32 from vector<1x1x1xi32>
    %eq3A_710 = vector.broadcast %broadcast_in_dim3A_694 : vector<1x8732xi32> to vector<32x8732xi32>
    %eq3A_711 = arith.cmpi eq, %or3A_691, %eq3A_710 : vector<32x8732xi32>
    %convert_element_type3A_712 = arith.extui %eq3A_711 : vector<32x8732xi1> to vector<32x8732xi32>
    %convert_element_type3A_713 = arith.sitofp %convert_element_type3A_712 : vector<32x8732xi32> to vector<32x8732xf32>
    %get3A_714 = arith.constant 3 : index
    %get3A_715 = arith.constant 0 : index
    %get3A_716 = arith.constant 0 : index
    %get3A_717 = vector.load %arg3[%get3A_714, %get3A_715, %get3A_716] : memref<4x4x32xf32, #tpu.memory_space<vmem>>, vector<1x4x32xf32>
    %get3A_718 = vector.shape_cast %get3A_717 : vector<1x4x32xf32> to vector<4x32xf32>
    %slice3A_719 = vector.extract_strided_slice %get3A_718 {offsets = [2, 0], sizes = [1, 32], strides = [1, 1]} : vector<4x32xf32> to vector<1x32xf32>
    %log3A_720 = math.log %slice3A_719 : vector<1x32xf32>
    %slice3A_721 = vector.extract_strided_slice %get3A_718 {offsets = [3, 0], sizes = [1, 32], strides = [1, 1]} : vector<4x32xf32> to vector<1x32xf32>
    %log3A_722 = math.log %slice3A_721 : vector<1x32xf32>
    %get3A_723 = arith.constant 3 : index
    %get3A_724 = arith.constant 0 : index
    %get3A_725 = arith.constant 0 : index
    %get3A_726 = vector.load %arg5[%get3A_723, %get3A_724, %get3A_725] : memref<4x1x32xf32, #tpu.memory_space<vmem>>, vector<1x1x32xf32>
    %get3A_727 = vector.shape_cast %get3A_726 : vector<1x1x32xf32> to vector<1x32xf32>
    %broadcast_in_dim3A_728 = arith.constant 0.000000e+00 : f32
    %broadcast_in_dim3A_729 = vector.broadcast %broadcast_in_dim3A_728 : f32 to vector<3x32xf32>
    %slice3A_730 = vector.extract_strided_slice %get3A_718 {offsets = [0, 0], sizes = [1, 32], strides = [1, 1]} : vector<4x32xf32> to vector<1x32xf32>
    %slice3A_731 = vector.extract_strided_slice %get3A_718 {offsets = [1, 0], sizes = [1, 32], strides = [1, 1]} : vector<4x32xf32> to vector<1x32xf32>
    %concatenate3A_732 = tpu.concatenate %slice3A_730, %slice3A_731, %log3A_720, %log3A_722, %get3A_727, %broadcast_in_dim3A_729 in 0 : vector<1x32xf32>, vector<1x32xf32>, vector<1x32xf32>, vector<1x32xf32>, vector<1x32xf32>, vector<3x32xf32> -> vector<8x32xf32>
    %dot_general3A_733 = arith.constant dense<0.000000e+00> : vector<8x8732xf32>
    %dot_general3A_734 = tpu.matmul %concatenate3A_732, %convert_element_type3A_713, %dot_general3A_733 {dimension_numbers = #tpu.dot_dimension_numbers<[1], [0], [0], [1], [0, 0, 1, 1], [], []>, transpose_lhs_hint = false} : vector<8x32xf32>, vector<32x8732xf32>, vector<8x8732xf32> -> vector<8x8732xf32>
    %slice3A_735 = vector.extract_strided_slice %dot_general3A_734 {offsets = [4, 0], sizes = [1, 8732], strides = [1, 1]} : vector<8x8732xf32> to vector<1x8732xf32>
    %slice3A_736 = vector.extract_strided_slice %dot_general3A_734 {offsets = [0, 0], sizes = [4, 8732], strides = [1, 1]} : vector<8x8732xf32> to vector<4x8732xf32>
    %get3A_737 = arith.constant 5 : index
    %get3A_738 = arith.constant 0 : index
    %get3A_739 = vector.load %arg1[%get3A_737, %get3A_738] : memref<17x8732xf32, #tpu.memory_space<vmem>>, vector<4x8732xf32>
    %sub3A_740 = arith.subf %slice3A_736, %get3A_739 : vector<4x8732xf32>
    %get3A_741 = arith.constant 9 : index
    %get3A_742 = arith.constant 0 : index
    %get3A_743 = vector.load %arg1[%get3A_741, %get3A_742] : memref<17x8732xf32, #tpu.memory_space<vmem>>, vector<4x8732xf32>
    %mul3A_744 = arith.mulf %sub3A_740, %get3A_743 : vector<4x8732xf32>
    %get3A_745 = arith.constant 13 : index
    %get3A_746 = arith.constant 0 : index
    %get3A_747 = vector.load %arg1[%get3A_745, %get3A_746] : memref<17x8732xf32, #tpu.memory_space<vmem>>, vector<4x8732xf32>
    %add3A_748 = arith.addf %mul3A_744, %get3A_747 : vector<4x8732xf32>
    %get3A_749 = arith.constant 3 : index
    %get3A_750 = arith.constant 0 : index
    %get3A_751 = arith.constant 0 : index
    %get3A_752 = vector.load %arg2[%get3A_749, %get3A_750, %get3A_751] : memref<4x25x8732xf32, #tpu.memory_space<vmem>>, vector<1x4x8732xf32>
    %get3A_753 = vector.shape_cast %get3A_752 : vector<1x4x8732xf32> to vector<4x8732xf32>
    %sub3A_754 = arith.subf %get3A_753, %add3A_748 : vector<4x8732xf32>
    %abs3A_755 = math.absf %sub3A_754 : vector<4x8732xf32>
    %lt3A_756 = arith.constant 1.000000e+00 : f32
    %lt3A_757 = vector.broadcast %lt3A_756 : f32 to vector<4x8732xf32>
    %lt3A_758 = arith.cmpf olt, %abs3A_755, %lt3A_757 : vector<4x8732xf32>
    %mul3A_759 = arith.constant 5.000000e-01 : f32
    %mul3A_760 = vector.broadcast %mul3A_759 : f32 to vector<4x8732xf32>
    %mul3A_761 = arith.mulf %mul3A_760, %sub3A_754 : vector<4x8732xf32>
    %mul3A_762 = arith.mulf %mul3A_761, %sub3A_754 : vector<4x8732xf32>
    %sub3A_763 = arith.constant 5.000000e-01 : f32
    %sub3A_764 = vector.broadcast %sub3A_763 : f32 to vector<4x8732xf32>
    %sub3A_765 = arith.subf %abs3A_755, %sub3A_764 : vector<4x8732xf32>
    %select_n3A_766 = arith.select %lt3A_758, %mul3A_762, %sub3A_765 : vector<4x8732xi1>, vector<4x8732xf32>
    %mul3A_767 = vector.broadcast %convert_element_type3A_703 : vector<1x8732xf32> to vector<4x8732xf32>
    %mul3A_768 = arith.mulf %select_n3A_766, %mul3A_767 : vector<4x8732xf32>
    %reduce_sum3A_769 = vector.shape_cast %mul3A_768 : vector<4x8732xf32> to vector<1x4x8732xf32>
    %reduce_sum3A_770 = arith.constant dense<0.000000e+00> : vector<1xf32>
    %reduce_sum3A_771 = vector.multi_reduction <add>, %reduce_sum3A_769, %reduce_sum3A_770 [1, 2] : vector<1x4x8732xf32> to vector<1xf32>
    %reduce_sum3A_772 = vector.shape_cast %reduce_sum3A_771 : vector<1xf32> to vector<1x1x1xf32>
    %reduce_sum3A_773 = vector.extract %reduce_sum3A_772[0, 0, 0] : f32 from vector<1x1x1xf32>
    %get3A_774 = arith.constant 3 : index
    %get3A_775 = arith.constant 4 : index
    %get3A_776 = arith.constant 0 : index
    %get3A_777 = vector.load %arg2[%get3A_774, %get3A_775, %get3A_776] : memref<4x25x8732xf32, #tpu.memory_space<vmem>>, vector<1x21x8732xf32>
    %get3A_778 = vector.shape_cast %get3A_777 : vector<1x21x8732xf32> to vector<21x8732xf32>
    %reduce_max3A_779 = arith.constant dense<0xFF800000> : vector<8732xf32>
    %reduce_max3A_780 = vector.multi_reduction <maximumf>, %get3A_778, %reduce_max3A_779 [0] : vector<21x8732xf32> to vector<8732xf32>
    %broadcast_in_dim3A_781 = vector.shape_cast %reduce_max3A_780 : vector<8732xf32> to vector<1x8732xf32>
    %sub3A_782 = vector.broadcast %broadcast_in_dim3A_781 : vector<1x8732xf32> to vector<21x8732xf32>
    %sub3A_783 = arith.subf %get3A_778, %sub3A_782 : vector<21x8732xf32>
    %exp3A_784 = math.exp %sub3A_783 : vector<21x8732xf32>
    %reduce_sum3A_785 = arith.constant dense<0.000000e+00> : vector<8732xf32>
    %reduce_sum3A_786 = vector.multi_reduction <add>, %exp3A_784, %reduce_sum3A_785 [0] : vector<21x8732xf32> to vector<8732xf32>
    %broadcast_in_dim3A_787 = vector.shape_cast %reduce_sum3A_786 : vector<8732xf32> to vector<1x8732xf32>
    %log3A_788 = math.log %broadcast_in_dim3A_787 : vector<1x8732xf32>
    %add3A_789 = arith.addf %broadcast_in_dim3A_781, %log3A_788 : vector<1x8732xf32>
    %iota3A_790 = tpu.iota {dimensions = array<i32: 0>} : vector<21x1xi32>
    %convert_element_type3A_791 = arith.sitofp %iota3A_790 : vector<21x1xi32> to vector<21x1xf32>
    %eq3A_792 = vector.broadcast %slice3A_735 : vector<1x8732xf32> to vector<21x8732xf32>
    %eq3A_793 = vector.broadcast %convert_element_type3A_791 : vector<21x1xf32> to vector<21x8732xf32>
    %eq3A_794 = arith.cmpf oeq, %eq3A_792, %eq3A_793 : vector<21x8732xf32>
    %convert_element_type3A_795 = arith.extui %eq3A_794 : vector<21x8732xi1> to vector<21x8732xi32>
    %convert_element_type3A_796 = arith.sitofp %convert_element_type3A_795 : vector<21x8732xi32> to vector<21x8732xf32>
    %mul3A_797 = vector.broadcast %convert_element_type3A_703 : vector<1x8732xf32> to vector<21x8732xf32>
    %mul3A_798 = arith.mulf %convert_element_type3A_796, %mul3A_797 : vector<21x8732xf32>
    %mul3A_799 = arith.mulf %mul3A_798, %get3A_778 : vector<21x8732xf32>
    %reduce_sum3A_800 = vector.shape_cast %mul3A_799 : vector<21x8732xf32> to vector<1x21x8732xf32>
    %reduce_sum3A_801 = arith.constant dense<0.000000e+00> : vector<1xf32>
    %reduce_sum3A_802 = vector.multi_reduction <add>, %reduce_sum3A_800, %reduce_sum3A_801 [1, 2] : vector<1x21x8732xf32> to vector<1xf32>
    %reduce_sum3A_803 = vector.shape_cast %reduce_sum3A_802 : vector<1xf32> to vector<1x1x1xf32>
    %reduce_sum3A_804 = vector.extract %reduce_sum3A_803[0, 0, 0] : f32 from vector<1x1x1xf32>
    %mul3A_805 = arith.mulf %add3A_789, %convert_element_type3A_703 : vector<1x8732xf32>
    %reduce_sum3A_806 = vector.shape_cast %mul3A_805 : vector<1x8732xf32> to vector<1x1x8732xf32>
    %reduce_sum3A_807 = arith.constant dense<0.000000e+00> : vector<1xf32>
    %reduce_sum3A_808 = vector.multi_reduction <add>, %reduce_sum3A_806, %reduce_sum3A_807 [1, 2] : vector<1x1x8732xf32> to vector<1xf32>
    %reduce_sum3A_809 = vector.shape_cast %reduce_sum3A_808 : vector<1xf32> to vector<1x1x1xf32>
    %reduce_sum3A_810 = vector.extract %reduce_sum3A_809[0, 0, 0] : f32 from vector<1x1x1xf32>
    %sub3A_811 = arith.subf %reduce_sum3A_810, %reduce_sum3A_804 : f32
    %get3A_812 = arith.constant 3 : index
    %get3A_813 = arith.constant 4 : index
    %get3A_814 = arith.constant 0 : index
    %get3A_815 = vector.load %arg2[%get3A_812, %get3A_813, %get3A_814] : memref<4x25x8732xf32, #tpu.memory_space<vmem>>, vector<1x1x8732xf32>
    %get3A_816 = vector.shape_cast %get3A_815 : vector<1x1x8732xf32> to vector<1x8732xf32>
    %sub3A_817 = arith.subf %add3A_789, %get3A_816 : vector<1x8732xf32>
    %bitcast_convert_type3A_818 = tpu.bitcast %sub3A_817 : vector<1x8732xf32> -> vector<1x8732xi32>
    %jit3A_819 = arith.constant -1 : i32
    %broadcast_in_dim3A_820 = vector.broadcast %jit3A_819 : i32 to vector<1x8732xi32>
    %select_n3A_821 = arith.select %gt3A_701, %broadcast_in_dim3A_820, %bitcast_convert_type3A_818 : vector<1x8732xi1>, vector<1x8732xi32>
    %swap3A_822 = arith.constant 3 : index
    %swap3A_823 = arith.constant 0 : index
    %swap3A_824 = arith.constant 0 : index
    %swap3A_825 = vector.load %arg6[%swap3A_822, %swap3A_823, %swap3A_824] : memref<4x1x8732xi32, #tpu.memory_space<vmem>>, vector<1x1x8732xi32>
    %swap3A_826 = vector.shape_cast %swap3A_825 : vector<1x1x8732xi32> to vector<1x8732xi32>
    %swap3A_827 = vector.shape_cast %select_n3A_821 : vector<1x8732xi32> to vector<1x1x8732xi32>
    tpu.vector_store %arg6[%swap3A_822, %swap3A_823, %swap3A_824], %swap3A_827 {strides = array<i32>} : memref<4x1x8732xi32, #tpu.memory_space<vmem>>, vector<1x1x8732xi32>,
    %add3A_828 = arith.addf %reduce_sum3A_773, %sub3A_811 : f32
    %add3A_829 = arith.addf %add3A_614, %add3A_828 : f32
    %add3A_830 = arith.addi %add3A_615, %reduce_sum3A_709 : i32
    %eq3A_831 = arith.constant 0 : i32
    %eq3A_832 = arith.cmpi eq, %arg0, %eq3A_831 : i32
    %convert_element_type3A_833 = arith.extui %eq3A_832 : i1 to i32
    %cond3A = arith.constant 0 : i32
    %cond3A_834 = arith.cmpi ne, %convert_element_type3A_833, %cond3A : i32
    scf.if %cond3A_834 {
      %swap3A_839 = arith.constant 0 : index
      %swap3A_840 = memref.load %arg7[%swap3A_839] : memref<1xf32, #tpu.memory_space<smem>>
      memref.store %add3A_829, %arg7[%swap3A_839] : memref<1xf32, #tpu.memory_space<smem>>
      %swap3A_841 = arith.constant 0 : index
      %swap3A_842 = memref.load %arg8[%swap3A_841] : memref<1xi32, #tpu.memory_space<smem>>
      memref.store %add3A_830, %arg8[%swap3A_841] : memref<1xi32, #tpu.memory_space<smem>>
    } else {
    }
    %ne3A = arith.constant 0 : i32
    %ne3A_835 = arith.cmpi ne, %arg0, %ne3A : i32
    %convert_element_type3A_836 = arith.extui %ne3A_835 : i1 to i32
    %cond3A_837 = arith.constant 0 : i32
    %cond3A_838 = arith.cmpi ne, %convert_element_type3A_836, %cond3A_837 : i32
    scf.if %cond3A_838 {
      %get3A_839 = arith.constant 0 : index
      %get3A_840 = memref.load %arg7[%get3A_839] : memref<1xf32, #tpu.memory_space<smem>>
      %add3A_841 = arith.addf %get3A_840, %add3A_829 : f32
      %swap3A_842 = arith.constant 0 : index
      %swap3A_843 = memref.load %arg7[%swap3A_842] : memref<1xf32, #tpu.memory_space<smem>>
      memref.store %add3A_841, %arg7[%swap3A_842] : memref<1xf32, #tpu.memory_space<smem>>
      %get3A_844 = arith.constant 0 : index
      %get3A_845 = memref.load %arg8[%get3A_844] : memref<1xi32, #tpu.memory_space<smem>>
      %add3A_846 = arith.addi %get3A_845, %add3A_830 : i32
      %swap3A_847 = arith.constant 0 : index
      %swap3A_848 = memref.load %arg8[%swap3A_847] : memref<1xi32, #tpu.memory_space<smem>>
      memref.store %add3A_846, %arg8[%swap3A_847] : memref<1xi32, #tpu.memory_space<smem>>
    } else {
    }
    return
  }
  func.func @transform_0(%arg0: i32) -> (i32, i32) {
    %c0_i32 = arith.constant 0 : i32
    %c0_i32_0 = arith.constant 0 : i32
    %c0_i32_1 = arith.constant 0 : i32
    return %c0_i32, %c0_i32_0 : i32, i32
  }
  func.func @transform_1(%arg0: i32) -> (i32, i32, i32) {
    %c0_i32 = arith.constant 0 : i32
    %c0_i32_0 = arith.constant 0 : i32
    %c0_i32_1 = arith.constant 0 : i32
    return %arg0, %c0_i32, %c0_i32_0 : i32, i32, i32
  }
  func.func @transform_2(%arg0: i32) -> (i32, i32, i32) {
    %c0_i32 = arith.constant 0 : i32
    %c0_i32_0 = arith.constant 0 : i32
    %c0_i32_1 = arith.constant 0 : i32
    return %arg0, %c0_i32, %c0_i32_0 : i32, i32, i32
  }
  func.func @transform_3(%arg0: i32) -> (i32, i32, i32) {
    %c0_i32 = arith.constant 0 : i32
    %c0_i32_0 = arith.constant 0 : i32
    %c0_i32_1 = arith.constant 0 : i32
    return %arg0, %c0_i32, %c0_i32_0 : i32, i32, i32
  }
  func.func @transform_4(%arg0: i32) -> (i32, i32, i32) {
    %c0_i32 = arith.constant 0 : i32
    %c0_i32_0 = arith.constant 0 : i32
    %c0_i32_1 = arith.constant 0 : i32
    return %arg0, %c0_i32, %c0_i32_0 : i32, i32, i32
  }
  func.func @transform_5(%arg0: i32) -> (i32, i32, i32) {
    %c0_i32 = arith.constant 0 : i32
    %c0_i32_0 = arith.constant 0 : i32
    %c0_i32_1 = arith.constant 0 : i32
    return %arg0, %c0_i32, %c0_i32_0 : i32, i32, i32
  }
  func.func @transform_6(%arg0: i32) -> i32 {
    %c0_i32 = arith.constant 0 : i32
    %c0_i32_0 = arith.constant 0 : i32
    return %c0_i32 : i32
  }
  func.func @transform_7(%arg0: i32) -> i32 {
    %c0_i32 = arith.constant 0 : i32
    %c0_i32_0 = arith.constant 0 : i32
    return %c0_i32 : i32
  }
}

module attributes {stable_mosaic.version = 14 : i64} {
  func.func @_phase3_kernel(%arg0: memref<32x32768xi32, #tpu.memory_space<vmem>>, %arg1: memref<32x32768xf32, #tpu.memory_space<vmem>>, %arg2: memref<1xf32, #tpu.memory_space<smem>>, %arg3: memref<1xi32, #tpu.memory_space<smem>>, %arg4: memref<1xf32, #tpu.memory_space<smem>>) attributes {dimension_semantics = [], scalar_prefetch = 0 : i64, scratch_operands = 0 : i64, tpu.core_type = #tpu.core_type<tc>} {
    %get3A = arith.constant 0 : index
    %get3A_0 = memref.load %arg3[%get3A] : memref<1xi32, #tpu.memory_space<smem>>
    %mul3A = arith.constant 3 : i32
    %mul3A_1 = arith.muli %get3A_0, %mul3A : i32
    %sub3A = arith.constant 1117696 : i32
    %sub3A_2 = arith.subi %sub3A, %get3A_0 : i32
    %min3A = arith.minsi %mul3A_1, %sub3A_2 : i32
    %max3A = arith.constant 1 : i32
    %max3A_3 = arith.maxsi %min3A, %max3A : i32
    %get3A_4 = arith.constant 0 : index
    %get3A_5 = arith.constant 0 : index
    %get3A_6 = vector.load %arg0[%get3A_4, %get3A_5] : memref<32x32768xi32, #tpu.memory_space<vmem>>, vector<32x32768xi32>
    %reduce_sum3A = arith.constant dense<0> : vector<32768xi32>
    %reduce_sum3A_7 = vector.multi_reduction <add>, %get3A_6, %reduce_sum3A [0] : vector<32x32768xi32> to vector<32768xi32>
    %broadcast_in_dim3A = vector.shape_cast %reduce_sum3A_7 : vector<32768xi32> to vector<1x32768xi32>
    %get3A_8 = arith.constant 0 : index
    %get3A_9 = arith.constant 0 : index
    %get3A_10 = vector.load %arg1[%get3A_8, %get3A_9] : memref<32x32768xf32, #tpu.memory_space<vmem>>, vector<32x32768xf32>
    %reduce_sum3A_11 = arith.constant dense<0.000000e+00> : vector<32768xf32>
    %reduce_sum3A_12 = vector.multi_reduction <add>, %get3A_10, %reduce_sum3A_11 [0] : vector<32x32768xf32> to vector<32768xf32>
    %broadcast_in_dim3A_13 = vector.shape_cast %reduce_sum3A_12 : vector<32768xf32> to vector<1x32768xf32>
    %iota3A = tpu.iota {dimensions = array<i32: 1>} : vector<1x32768xi32>
    %scan3A = arith.constant 0 : i32
    %scan3A_14 = arith.constant 0 : i32
    %scan3A_15 = arith.constant 15 : i32
    %scan3A_16 = arith.addi %scan3A_14, %scan3A_15 : i32
    %scan3A_17 = arith.constant 1 : i32
    %scan3A_18 = scf.for %scan3A_44 = %scan3A_14 to %scan3A_16 step %scan3A_17 iter_args(%scan3A_45 = %scan3A) -> (i32)  : i32 {
      %sub3A_46 = arith.constant 14 : i32
      %sub3A_47 = arith.subi %sub3A_46, %scan3A_44 : i32
      %shift_left3A_48 = arith.constant 1 : i32
      %shift_left3A_49 = arith.shli %shift_left3A_48, %sub3A_47 : i32
      %add3A_50 = arith.addi %scan3A_45, %shift_left3A_49 : i32
      %ge3A = vector.broadcast %add3A_50 : i32 to vector<1x32768xi32>
      %ge3A_51 = arith.cmpi sge, %iota3A, %ge3A : vector<1x32768xi32>
      %jit3A_52 = arith.constant 0 : i32
      %broadcast_in_dim3A_53 = vector.broadcast %jit3A_52 : i32 to vector<1x32768xi32>
      %select_n3A_54 = arith.select %ge3A_51, %broadcast_in_dim3A, %broadcast_in_dim3A_53 : vector<1x32768xi1>, vector<1x32768xi32>
      %reduce_sum3A_55 = vector.shape_cast %select_n3A_54 : vector<1x32768xi32> to vector<1x1x32768xi32>
      %reduce_sum3A_56 = arith.constant dense<0> : vector<1xi32>
      %reduce_sum3A_57 = vector.multi_reduction <add>, %reduce_sum3A_55, %reduce_sum3A_56 [1, 2] : vector<1x1x32768xi32> to vector<1xi32>
      %reduce_sum3A_58 = vector.shape_cast %reduce_sum3A_57 : vector<1xi32> to vector<1x1x1xi32>
      %reduce_sum3A_59 = vector.extract %reduce_sum3A_58[0, 0, 0] : i32 from vector<1x1x1xi32>
      %ge3A_60 = arith.cmpi sge, %reduce_sum3A_59, %max3A_3 : i32
      %select_n3A_61 = arith.select %ge3A_60, %add3A_50, %scan3A_45 : i32
      scf.yield %select_n3A_61 : i32
    }
    %scan3A_19 = arith.constant 15 : i32
    %gt3A = vector.broadcast %scan3A_18 : i32 to vector<1x32768xi32>
    %gt3A_20 = arith.cmpi sgt, %iota3A, %gt3A : vector<1x32768xi32>
    %jit3A = arith.constant 0 : i32
    %broadcast_in_dim3A_21 = vector.broadcast %jit3A : i32 to vector<1x32768xi32>
    %select_n3A = arith.select %gt3A_20, %broadcast_in_dim3A, %broadcast_in_dim3A_21 : vector<1x32768xi1>, vector<1x32768xi32>
    %reduce_sum3A_22 = vector.shape_cast %select_n3A : vector<1x32768xi32> to vector<1x1x32768xi32>
    %reduce_sum3A_23 = arith.constant dense<0> : vector<1xi32>
    %reduce_sum3A_24 = vector.multi_reduction <add>, %reduce_sum3A_22, %reduce_sum3A_23 [1, 2] : vector<1x1x32768xi32> to vector<1xi32>
    %reduce_sum3A_25 = vector.shape_cast %reduce_sum3A_24 : vector<1xi32> to vector<1x1x1xi32>
    %reduce_sum3A_26 = vector.extract %reduce_sum3A_25[0, 0, 0] : i32 from vector<1x1x1xi32>
    %gt3A_27 = vector.broadcast %scan3A_18 : i32 to vector<1x32768xi32>
    %gt3A_28 = arith.cmpi sgt, %iota3A, %gt3A_27 : vector<1x32768xi32>
    %jit3A_29 = arith.constant 0.000000e+00 : f32
    %broadcast_in_dim3A_30 = vector.broadcast %jit3A_29 : f32 to vector<1x32768xf32>
    %select_n3A_31 = arith.select %gt3A_28, %broadcast_in_dim3A_13, %broadcast_in_dim3A_30 : vector<1x32768xi1>, vector<1x32768xf32>
    %reduce_sum3A_32 = vector.shape_cast %select_n3A_31 : vector<1x32768xf32> to vector<1x1x32768xf32>
    %reduce_sum3A_33 = arith.constant dense<0.000000e+00> : vector<1xf32>
    %reduce_sum3A_34 = vector.multi_reduction <add>, %reduce_sum3A_32, %reduce_sum3A_33 [1, 2] : vector<1x1x32768xf32> to vector<1xf32>
    %reduce_sum3A_35 = vector.shape_cast %reduce_sum3A_34 : vector<1xf32> to vector<1x1x1xf32>
    %reduce_sum3A_36 = vector.extract %reduce_sum3A_35[0, 0, 0] : f32 from vector<1x1x1xf32>
    %shift_left3A = arith.constant 16 : i32
    %shift_left3A_37 = arith.shli %scan3A_18, %shift_left3A : i32
    %bitcast_convert_type3A = arith.bitcast %shift_left3A_37 : i32 to f32
    %sub3A_38 = arith.subi %max3A_3, %reduce_sum3A_26 : i32
    %convert_element_type3A = arith.sitofp %sub3A_38 : i32 to f32
    %mul3A_39 = arith.mulf %convert_element_type3A, %bitcast_convert_type3A : f32
    %add3A = arith.addf %reduce_sum3A_36, %mul3A_39 : f32
    %get3A_40 = arith.constant 0 : index
    %get3A_41 = memref.load %arg2[%get3A_40] : memref<1xf32, #tpu.memory_space<smem>>
    %add3A_42 = arith.addf %get3A_41, %add3A : f32
    %swap3A = arith.constant 0 : index
    %swap3A_43 = memref.load %arg4[%swap3A] : memref<1xf32, #tpu.memory_space<smem>>
    memref.store %add3A_42, %arg4[%swap3A] : memref<1xf32, #tpu.memory_space<smem>>
    return
  }
}

</mosaic_0001>

<sc_bundles>
// kernel: kernel.5.cloned.1.call-start
scs
__scs_entry_jumppad:
0x0: {  	(pc) =	sbr.rel $0x88, $3  }
0x1: {  	(tag) =	ssettag $0x0;
	lr =	simm.s32 $0x1  }
0x2: {  	[smem:$0x3F9E] =	sst lr;
	_ =	strace $0xD0000000  }
0x3: {  	_ = 	snop  }
0x4: {  	_ = 	snop  }
0x5: {  	_ = 	snop  }
0x6: {  	_ = 	snop  }
0x7: {  	_ = 	snop  }
__scs_overlays_trampoline_lowered:
0x8: {  	[smem:$0x3FAD] =	sst s0  }
0x9: {  	[smem:$0x3FAE] =	sst s1  }
0xa: {  	[smem:$0x3FAF] =	sst s2  }
0xb: {  	[smem:$0x3FB0] =	sst s3  }
0xc: {  	[smem:$0x3FB1] =	sst s4  }
0xd: {  	[smem:$0x3FB2] =	sst s5  }
0xe: {  	[smem:$0x3FB3] =	sst s6  }
0xf: {  	[smem:$0x3FB4] =	sst s7  }
0x10: {  	[smem:$0x3FB5] =	sst s8  }
0x11: {  	[smem:$0x3FB6] =	sst s9;
	s0 =	simm.s32 @!p0 $0x0  }
0x12: {  	s1 =	sld [smem:$0x3F9C];
	s0 =	simm.s32 @p0 $0x1  }
0x13: {  	[smem:$0x3FB7] =	sst s0;
	s0 =	simm.s32 @!p1 $0x0  }
0x14: {  	s2 =	sld [smem:$0x3F9B];
	s0 =	simm.s32 @p1 $0x1  }
0x15: {  	[smem:$0x3FB8] =	sst s0;
	s0 =	simm.s32 @!p2 $0x0  }
0x16: {  	s3 =	sld [smem:$0x3FDB];
	s0 =	simm.s32 @p2 $0x1  }
0x17: {  	s4 =	simm.s32 $0x1BF5;
	[smem:$0x3FBA] =	sst s0  }
0x18: {  	s0 =	sld [smem:$0x3F9D];
	_ =	swait.ge [sflag:s4], $0x0  }
0x19: {  	s7 =	sld [smem:$0x3F9E]  }
0x1a: {  	s8 =	sadd.s32 $0xFFFFE003, lr  }
0x1b: {  	s9 =	sadd.s32 $0xFFFFFEF7, lr;
	s5 =	simm.s32 $0xFFFFFFFF;
	p2 =	slt.u32 s8, $0xFFFFF086  }
0x1c: {  	p1 =	slt.u32 s9, $0xF7A;
	s5 =	simm.s32 @!p2 $0x0  }
0x1d: {  	s5 =	simm.s32 @p1 $0x1;
	p0 =	seq.s32 s7, s2  }
0x1e: {  	s7 =	smul.u32 @!p0 $0xF7A, s2;
	p2 =	seq.s32 @!p0 s5, $0x0  }
0x1f: {  	s9 =	smul.u32 $0xF7A, s1;
	s8 =	simm.s32 @!p0 $0x1BF5;
	p2 =	por !p2, p0  }
0x20: {  	[sflag:s8] =	ssyncset.s32 @!p0 $0xFFFFF086;
	s6 =	sadd.s32 @!p0 s3, s7;
	s7 =	simm.s32 @!p0 $0x108  }
0x21: {  	s3 =	sadd.s32 s3, s9;
	s6 =	sadd.s32 @!p0 $0x88, s6;
	s7 =	simm.s32 @p2 $0x1082  }
0x22: {  	[simem:s7], [sflag:s8] =	dma.local @!p0 [hbm:s6], $0xF7A  }
0x23: {  	s9 =	sor.u32 $0xD0000000, s2;
	s6 =	simm.s32 $0x108;
	_ =	swait.ge @!p0 [sflag:s8], $0x0  }
0x24: {  	s3 =	sadd.s32 $0x88, s3;
	s6 =	simm.s32 @!p1 $0x1082;
	[sflag:s4] =	ssyncset.s32 $0xFFFFF086  }
0x25: {  	[simem:s6], [sflag:s4] =	dma.local [hbm:s3], $0xF7A  }
0x26: {  	[smem:$0x3F9E] =	sst s1;
	(tag) =	ssettag s2;
	_ =	strace s9  }
0x27: {  	s1 =	sld [smem:$0x3FAE]  }
0x28: {  	s2 =	sld [smem:$0x3FAF]  }
0x29: {  	s4 =	sld [smem:$0x3FB1]  }
0x2a: {  	p0 =	seq.s32 s5, $0x0;
	s5 =	sld [smem:$0x3FB2]  }
0x2b: {  	s6 =	sld [smem:$0x3FB3]  }
0x2c: {  	s7 =	sld [smem:$0x3FB4]  }
0x2d: {  	s3 =	simm.s32 $0x108;
	s8 =	sld [smem:$0x3FB5]  }
0x2e: {  	s3 =	simm.s32 @!p0 $0x1082;
	s9 =	sld [smem:$0x3FB6]  }
0x2f: {  	lr =	sadd.s32 s0, s3;
	s0 =	sld [smem:$0x3FAD]  }
0x30: {  	s3 =	sld [smem:$0x3FB0]  }
0x31: {  	[smem:$0x3FB9] =	sst s10  }
0x32: {  	s10 =	sld [smem:$0x3FB7];
	_ =	sdelay $0x3  }
0x33: {  	p0 =	seq.s32 s10, $0x1;
	s10 =	sld [smem:$0x3FB9];
	_ =	sdelay $0x3  }
0x34: {  	[smem:$0x3FB9] =	sst s10  }
0x35: {  	s10 =	sld [smem:$0x3FB8];
	_ =	sdelay $0x3  }
0x36: {  	p1 =	seq.s32 s10, $0x1;
	s10 =	sld [smem:$0x3FB9];
	_ =	sdelay $0x3  }
0x37: {  	[smem:$0x3FB9] =	sst s10  }
0x38: {  	s10 =	sld [smem:$0x3FBA]  }
0x39: {  	_ = 	snop;
	(pc) =	sbr.ind lr, $3  }
0x3a: {  	_ = 	snop  }
0x3b: {  	_ = 	snop  }
0x3c: {  	p2 =	seq.s32 s10, $0x1;
	s10 =	sld [smem:$0x3FB9]  }
0x3d: {  	_ =	shalt  }
0x3e: {  	_ =	shalt  }
0x3f: {  	_ =	shalt  }
0x40: {  	_ =	shalt  }
0x41: {  	_ =	shalt  }
0x42: {  	_ =	shalt  }
0x43: {  	_ =	shalt  }
0x44: {  	_ =	shalt  }
0x45: {  	_ =	shalt  }
0x46: {  	_ =	shalt  }
0x47: {  	_ =	shalt  }
0x48: {  	_ =	shalt  }
0x49: {  	_ =	shalt  }
0x4a: {  	_ =	shalt  }
0x4b: {  	_ =	shalt  }
0x4c: {  	_ =	shalt  }
0x4d: {  	_ =	shalt  }
0x4e: {  	_ =	shalt  }
0x4f: {  	_ =	shalt  }
0x50: {  	_ =	shalt  }
0x51: {  	_ =	shalt  }
0x52: {  	_ =	shalt  }
0x53: {  	_ =	shalt  }
0x54: {  	_ =	shalt  }
0x55: {  	_ =	shalt  }
0x56: {  	_ =	shalt  }
0x57: {  	_ =	shalt  }
0x58: {  	_ =	shalt  }
0x59: {  	_ =	shalt  }
0x5a: {  	_ =	shalt  }
0x5b: {  	_ =	shalt  }
0x5c: {  	_ =	shalt  }
0x5d: {  	_ =	shalt  }
0x5e: {  	_ =	shalt  }
0x5f: {  	_ =	shalt  }
0x60: {  	_ =	shalt  }
0x61: {  	_ =	shalt  }
0x62: {  	_ =	shalt  }
0x63: {  	_ =	shalt  }
0x64: {  	_ =	shalt  }
0x65: {  	_ =	shalt  }
0x66: {  	_ =	shalt  }
0x67: {  	_ =	shalt  }
0x68: {  	_ =	shalt  }
0x69: {  	_ =	shalt  }
0x6a: {  	_ =	shalt  }
0x6b: {  	_ =	shalt  }
0x6c: {  	_ =	shalt  }
0x6d: {  	_ =	shalt  }
0x6e: {  	_ =	shalt  }
0x6f: {  	_ =	shalt  }
0x70: {  	_ =	shalt  }
0x71: {  	_ =	shalt  }
0x72: {  	_ =	shalt  }
0x73: {  	_ =	shalt  }
0x74: {  	_ =	shalt  }
0x75: {  	_ =	shalt  }
0x76: {  	_ =	shalt  }
0x77: {  	_ =	shalt  }
0x78: {  	_ =	shalt  }
0x79: {  	_ =	shalt  }
0x7a: {  	_ =	shalt  }
0x7b: {  	_ =	shalt  }
0x7c: {  	_ =	shalt  }
0x7d: {  	_ =	shalt  }
0x7e: {  	_ =	shalt  }
0x7f: {  	_ =	shalt  }
0x80: {  	_ =	shalt  }
0x81: {  	_ =	shalt  }
0x82: {  	_ =	shalt  }
0x83: {  	_ =	shalt  }
0x84: {  	_ =	shalt  }
0x85: {  	_ =	shalt  }
0x86: {  	_ =	shalt  }
0x87: {  	_ =	shalt  }
.Lfunc_end0:
.L_simem_size_0:
called_computation_lowered:
.L_overlay_start_0:
0x88: {  	s2 =	sld [smem:$0x3FD9]  }
0x89: {  	s3 =	sld [smem:$0x3FFE];
	_ =	sdelay $0x1  }
0x8a: {  	s1 =	srdreg.scid  }
0x8b: {  	s0 =	sand.u32 $0x1, s1  }
0x8c: {  	s16 =	sshll.u32 s0, $0xA;
	s2 =	sadd.s32 s3, s2  }
0x8d: {  	s2 =	sadd.s32 s2, s16  }
0x8e: {  	[smem:$0x3FC5] =	sst s2  }
0x8f: {  	_ = 	snop  }
0x90: {  	(tm) =	ssettm $0x1  }
0x91: {  	s17 =	sld [smem:$0x3FFB];
	_ =	sdelay $0x3  }
0x92: {  	_ =	strace s17  }
0x93: {  	s2 =	sld [smem:$0x3FFC];
	_ =	sdelay $0x3  }
0x94: {  	_ =	strace s2  }
0x95: {  	s2 =	sld [smem:$0x3FFD];
	_ =	sdelay $0x3  }
0x96: {  	_ =	strace s2  }
0x97: {  	_ =	strace $0x8FFFFFFF  }
0x98: {  	s18 =	sld [smem:$0x3FDB];
	_ =	sdelay $0x1  }
0x99: {  	s19 =	simm.s32 $_scs_section_size  }
0x9a: {  	s4 =	simm.s32 $_size__tile_overlayer_lowered;
	s5 =	simm.s32 $_tile_overlayer_lowered  }
0x9b: {  	s22 =	simm.s32 $0x1BFF;
	s21 =	sshll.u32 s5, $0x1;
	s2 =	sadd.s32 s19, s18  }
0x9c: {  	s6 =	simm.s32 $0x0;
	s20 =	sshll.u32 s4, $0x1;
	s4 =	sadd.s32 s21, s2  }
0x9d: {  	[timem:s6], [sflag:s22] =	dma.local [hbm:s4], s20  }
0x9e: {  	_ =	swait.ge [sflag:s22], s20  }
0x9f: {  	s3 =	ssub.s32 $0x0, s20;
	[sflag:s22] =	ssyncset.done $0x0  }
0xa0: {  	[sflag:s22] =	ssyncadd.s32 s3;
	_ =	sdelay $0x1  }
0xa1: {  	s23 =	simm.s32 $0x1B8B  }
0xa2: {  	_ =	swait.ge [sflag:s23], $0x1  }
0xa3: {  	[sflag:s23] =	ssyncset.done $0x0  }
0xa4: {  	s25 =	simm.s32 $0x1B8E;
	s24 =	sld [smem:$0x3FFE];
	[sflag:s23] =	ssyncadd.s32 $0xFFFFFFFF  }
0xa5: {  	s26 =	simm.s32 $execute0_lowered;
	[smem:$0x3FD2] =	sst s25  }
0xa6: {  	s4 =	sshll.u32 s26, $0x1;
	_ =	strace $0x80000046;
	[dreg:$0x1] =	wrdreg $0xFFFFFFFF  }
0xa7: {  	s28 =	simm.s32 $_size_execute0_lowered;
	s2 =	sadd.s32 s2, s4;
	[dreg:$0x0] =	wrdreg $0x0  }
0xa8: {  	s4 =	sshll.u32 s28, $0x1;
	[dreg:$0x2] =	wrdreg s2  }
0xa9: {  	[dreg:$0x3] =	wrdreg s4  }
0xaa: {  	[dreg:$0x4] =	wrdreg $0xC0  }
0xab: {  	_ =	task [dreg:s6], $0x5FFFF  }
0xac: {  	[dreg:$0x1] =	wrdreg $0xFFFFFFFF  }
0xad: {  	[dreg:$0x0] =	wrdreg $0x60  }
0xae: {  	[dreg:$0x2] =	wrdreg s24  }
0xaf: {  	[dreg:$0x3] =	wrdreg $0x9  }
0xb0: {  	_ =	task.clear_ibuf [dreg:s6], $0x4FFFF;
	_ =	strace $0x90000046  }
0xb1: {  	s29 =	simm.s32 $0x9;
	_ =	strace $0x80000048  }
0xb2: {  	_ =	swait.ge [sflag:s29], $0x1  }
0xb3: {  	[sflag:s29] =	ssyncadd.s32 $0xFFFFFFFF  }
0xb4: {  	_ =	strace $0x90000048  }
0xb5: {  	_ =	sfence  }
0xb6: {  	s30 =	sld [smem:$0x0];
	_ =	sdelay $0x2  }
0xb7: {  	s31 =	sshll.u32 s1, $0xD;
	s1 =	sshrl.u32 s1, $0x2  }
0xb8: {  	s3 =	sand.u32 $0x4000, s31;
	s1 =	sadd.s32 s1, s30  }
0xb9: {  	s0 =	sor.u32 s3, s0;
	s1 =	sshll.u32 s1, $0x11  }
0xba: {  	s0 =	sor.u32 s1, s0  }
0xbb: {  	s0 =	sadd.s32 $0x8F2B, s0  }
0xbc: {  	[sflag:s0] =	ssyncadd.remote.s32 $0x1  }
0xbd: {  	_ =	sfence.sel $0xFFFF  }
0xbe: {  	[dreg:$0x0] =	wrdreg $0xFFFFFFFF;
	(pc) =	sbr.abs _section_cstart, $3  }
0xbf: {  	[dreg:$0x1] =	wrdreg $0xFFFFFFFF  }
0xc0: {  	_ =	task.clear_ibuf [dreg:s6], $0x2FFFF;
	_ =	strace $0x9FFFFFFF  }
0xc1: {  	(tm) =	ssettm $0x7FFFFFFF  }
tec
execute0_lowered:
.L_overlay_start_1:
0x0: {  	(tag) =	ssettag $0x1  }
0x1: {  	s1 =	srdreg.scid  }
0x2: {  	s0 =	stileid.u32;
	s3 =	rddreg [dreg:$0x0];
	s8 =	simm.s32 $0x8880  }
0x3: {  	s9 =	simm.s32 $0x10880;
	s10 =	simm.s32 $0x80;
	s11 =	simm.s32 $0x400  }
0x4: {  	s12 =	simm.s32 $0x2;
	s13 =	simm.s32 $0x0;
	s4 =	sand.u32 $0x1, s1  }
0x5: {  	s2 =	sshll.u32 s0, $0x1;
	s1 =	rddreg [dreg:$0x1];
	s6 =	sshll.u32 s0, $0xD  }
0x6: {  	s5 =	sor.u32 s4, s2;
	s2 =	simm.s32 $0x0;
	s4 =	ssub.s32 $0x2, s4  }
0x7: {  	s7 =	sshll.u32 s5, $0x4;
	[smem:$0x7FF] =	sst s2;
	s5 =	smul.u32 $0x110E, s5  }
0x8: {  	s30 =	sshrl.u32 s4, $0x1;
	s6 =	sor.u32 s6, s7;
	_ =	strace $0x80000047  }
0x9: {  	s31 =	ssub.s32 s4, s30;
	s6 =	sand.u32 $0x18070, s6;
	s5 =	sadd.s32 s5, s3  }
0xa: {  	s7 =	simm.s32 $0x1;
	s6 =	sadd.s32 s6, s3;
	s3 =	sadd.s32 $0xC00, s5  }
0xb: {  	v0 =	vimm.s32 $0x0;
	v1 =	vimm.f32 $0.0e+00;
	v2 =	vimm.s32 $0x1;
	s4 =	sadd.s32 $0x22E00, s6;
	s5 =	sadd.s32 $0x42E00, s6;
	s6 =	smax.u32 s31, $0x1  }
.LBB2_1:
0xc: {  	[tilespmem:s2], [sflag:$0x1] =	stream.linear.gather [hbm4b:s3+s2], $0x8870, $0x38;
	[tilespmem:$0x18880] =	vst v63  }
0xd: {  	s15 =	simm.s32 $0x88C0  }
0xe: {  	s14 =	simm.s32 $0x108C0;
	[tilespmem:s15+$0xFFFFFFC0] =	vst v0  }
0xf: {  	[tilespmem:s14+$0xFFFFFFC0] =	vst v1  }
0x10: {  	[tilespmem:s15+$0xFFFFFFD0] =	vst v0  }
0x11: {  	[tilespmem:s14+$0xFFFFFFD0] =	vst v1  }
0x12: {  	[tilespmem:s15+$0xFFFFFFE0] =	vst v0  }
0x13: {  	[tilespmem:s14+$0xFFFFFFE0] =	vst v1  }
0x14: {  	[tilespmem:s15+$0xFFFFFFF0] =	vst v0  }
0x15: {  	[tilespmem:s14+$0xFFFFFFF0] =	vst v1  }
0x16: {  	[tilespmem:s15+$0x0] =	vst v0  }
0x17: {  	[tilespmem:s14+$0x0] =	vst v1  }
0x18: {  	[tilespmem:s15+$0x10] =	vst v0  }
0x19: {  	[tilespmem:s14+$0x10] =	vst v1  }
0x1a: {  	[tilespmem:s15+$0x20] =	vst v0  }
0x1b: {  	[tilespmem:s14+$0x20] =	vst v1  }
0x1c: {  	[tilespmem:s15+$0x30] =	vst v0  }
0x1d: {  	s16 =	simm.s32 $0x8940;
	s15 =	simm.s32 $0x0;
	[tilespmem:s14+$0x30] =	vst v1  }
.LBB2_2:
0x1e: {  	[tilespmem:s16+$0xFFFFFFC0] =	vst v0;
	s14 =	sadd.s32 $0x80, s14  }
0x1f: {  	[tilespmem:s14+$0xFFFFFFC0] =	vst v1  }
0x20: {  	[tilespmem:s16+$0xFFFFFFD0] =	vst v0  }
0x21: {  	[tilespmem:s14+$0xFFFFFFD0] =	vst v1  }
0x22: {  	[tilespmem:s16+$0xFFFFFFE0] =	vst v0  }
0x23: {  	[tilespmem:s14+$0xFFFFFFE0] =	vst v1  }
0x24: {  	[tilespmem:s16+$0xFFFFFFF0] =	vst v0  }
0x25: {  	[tilespmem:s14+$0xFFFFFFF0] =	vst v1  }
0x26: {  	[tilespmem:s16+$0x0] =	vst v0  }
0x27: {  	s15 =	sadd.s32 $0x8, s15;
	[tilespmem:s14+$0x0] =	vst v1  }
0x28: {  	p0 =	slt.u32 s15, $0x7F8;
	[tilespmem:s16+$0x10] =	vst v0  }
.Ltmp0:
0x29: {  	[tilespmem:s14+$0x10] =	vst v1;
	(pc) =	sbr.rel @p0 .LBB2_2-.Ltmp0, $4  }
0x2a: {  	[tilespmem:s16+$0x20] =	vst v0  }
0x2b: {  	[tilespmem:s14+$0x20] =	vst v1  }
0x2c: {  	[tilespmem:s16+$0x30] =	vst v0  }
0x2d: {  	s16 =	sadd.s32 $0x80, s16;
	[tilespmem:s14+$0x30] =	vst v1  }
0x2e: {  	_ =	swait.ge [sflag:s7], $0x8870  }
0x2f: {  	[sflag:s7] =	ssyncset.done $0x0  }
0x30: {  	s14 =	simm.s32 $0xFFFFFFF0;
	s15 =	simm.s32 $0x80;
	[sflag:s7] =	ssyncadd.s32 $0xFFFF7790  }
.LBB2_4:
0x31: {  	v3 =	vld [tilespmem:s15+$0xFFFFFF80];
	_ =	sdelay $0x4  }
0x32: {  	vm0 =	vgt.s32 v3, $0x0  }
0x33: {  	vm1 =	vgt.s32 v3, $0xFFFFFFFF;
	v4 =	vnsel vm0, $0x0, v3  }
0x34: {  	v4 =	vshrl.u32 v4, $0x10;
	_ =	sdelay $0x4  }
0x35: {  	[tilespmem:v4+s8+$0x0] =	vst.idx.add.s32.msk vm1, v2  }
0x36: {  	[tilespmem:v4+s9+$0x0] =	vst.idx.add.f32.msk vm1, v3  }
0x37: {  	v3 =	vld [tilespmem:s15+$0xFFFFFF90];
	_ =	sdelay $0x4  }
0x38: {  	vm10 =	vgt.s32 v3, $0x0  }
0x39: {  	vm11 =	vgt.s32 v3, $0xFFFFFFFF;
	v49 =	vnsel vm10, $0x0, v3  }
0x3a: {  	v4 =	vshrl.u32 v49, $0x10;
	_ =	sdelay $0x4  }
0x3b: {  	[tilespmem:v4+s8+$0x0] =	vst.idx.add.s32.msk vm11, v2  }
0x3c: {  	[tilespmem:v4+s9+$0x0] =	vst.idx.add.f32.msk vm11, v3  }
0x3d: {  	v3 =	vld [tilespmem:s15+$0xFFFFFFA0];
	_ =	sdelay $0x4  }
0x3e: {  	vm12 =	vgt.s32 v3, $0x0  }
0x3f: {  	vm13 =	vgt.s32 v3, $0xFFFFFFFF;
	v50 =	vnsel vm12, $0x0, v3  }
0x40: {  	v4 =	vshrl.u32 v50, $0x10;
	_ =	sdelay $0x4  }
0x41: {  	[tilespmem:v4+s8+$0x0] =	vst.idx.add.s32.msk vm13, v2  }
0x42: {  	[tilespmem:v4+s9+$0x0] =	vst.idx.add.f32.msk vm13, v3  }
0x43: {  	v3 =	vld [tilespmem:s15+$0xFFFFFFB0];
	_ =	sdelay $0x4  }
0x44: {  	vm14 =	vgt.s32 v3, $0x0  }
0x45: {  	vm15 =	vgt.s32 v3, $0xFFFFFFFF;
	v51 =	vnsel vm14, $0x0, v3  }
0x46: {  	v4 =	vshrl.u32 v51, $0x10;
	_ =	sdelay $0x4  }
0x47: {  	[tilespmem:v4+s8+$0x0] =	vst.idx.add.s32.msk vm15, v2  }
0x48: {  	[tilespmem:v4+s9+$0x0] =	vst.idx.add.f32.msk vm15, v3  }
0x49: {  	v3 =	vld [tilespmem:s15+$0xFFFFFFC0];
	_ =	sdelay $0x4  }
0x4a: {  	vm4 =	vgt.s32 v3, $0x0  }
0x4b: {  	vm5 =	vgt.s32 v3, $0xFFFFFFFF;
	v52 =	vnsel vm4, $0x0, v3  }
0x4c: {  	v4 =	vshrl.u32 v52, $0x10;
	_ =	sdelay $0x4  }
0x4d: {  	[tilespmem:v4+s8+$0x0] =	vst.idx.add.s32.msk vm5, v2  }
0x4e: {  	[tilespmem:v4+s9+$0x0] =	vst.idx.add.f32.msk vm5, v3  }
0x4f: {  	v3 =	vld [tilespmem:s15+$0xFFFFFFD0];
	_ =	sdelay $0x4  }
0x50: {  	vm6 =	vgt.s32 v3, $0x0  }
0x51: {  	vm7 =	vgt.s32 v3, $0xFFFFFFFF;
	v53 =	vnsel vm6, $0x0, v3  }
0x52: {  	v4 =	vshrl.u32 v53, $0x10;
	_ =	sdelay $0x4  }
0x53: {  	[tilespmem:v4+s8+$0x0] =	vst.idx.add.s32.msk vm7, v2  }
0x54: {  	[tilespmem:v4+s9+$0x0] =	vst.idx.add.f32.msk vm7, v3  }
0x55: {  	v3 =	vld [tilespmem:s15+$0xFFFFFFE0];
	_ =	sdelay $0x4  }
0x56: {  	vm8 =	vgt.s32 v3, $0x0  }
0x57: {  	vm9 =	vgt.s32 v3, $0xFFFFFFFF;
	v54 =	vnsel vm8, $0x0, v3  }
0x58: {  	v4 =	vshrl.u32 v54, $0x10;
	_ =	sdelay $0x4  }
0x59: {  	[tilespmem:v4+s8+$0x0] =	vst.idx.add.s32.msk vm9, v2  }
0x5a: {  	[tilespmem:v4+s9+$0x0] =	vst.idx.add.f32.msk vm9, v3  }
0x5b: {  	v3 =	vld [tilespmem:s15+$0xFFFFFFF0];
	_ =	sdelay $0x4  }
0x5c: {  	vm10 =	vgt.s32 v3, $0x0  }
0x5d: {  	vm11 =	vgt.s32 v3, $0xFFFFFFFF;
	v55 =	vnsel vm10, $0x0, v3  }
0x5e: {  	v4 =	vshrl.u32 v55, $0x10;
	_ =	sdelay $0x4  }
0x5f: {  	[tilespmem:v4+s8+$0x0] =	vst.idx.add.s32.msk vm11, v2  }
0x60: {  	[tilespmem:v4+s9+$0x0] =	vst.idx.add.f32.msk vm11, v3  }
0x61: {  	v3 =	vld [tilespmem:s15+$0x0];
	_ =	sdelay $0x4  }
0x62: {  	vm12 =	vgt.s32 v3, $0x0  }
0x63: {  	vm13 =	vgt.s32 v3, $0xFFFFFFFF;
	v56 =	vnsel vm12, $0x0, v3  }
0x64: {  	v4 =	vshrl.u32 v56, $0x10;
	_ =	sdelay $0x4  }
0x65: {  	[tilespmem:v4+s8+$0x0] =	vst.idx.add.s32.msk vm13, v2  }
0x66: {  	[tilespmem:v4+s9+$0x0] =	vst.idx.add.f32.msk vm13, v3  }
0x67: {  	v3 =	vld [tilespmem:s15+$0x10];
	_ =	sdelay $0x4  }
0x68: {  	vm14 =	vgt.s32 v3, $0x0  }
0x69: {  	vm15 =	vgt.s32 v3, $0xFFFFFFFF;
	v57 =	vnsel vm14, $0x0, v3  }
0x6a: {  	v4 =	vshrl.u32 v57, $0x10;
	_ =	sdelay $0x4  }
0x6b: {  	[tilespmem:v4+s8+$0x0] =	vst.idx.add.s32.msk vm15, v2  }
0x6c: {  	[tilespmem:v4+s9+$0x0] =	vst.idx.add.f32.msk vm15, v3  }
0x6d: {  	v3 =	vld [tilespmem:s15+$0x20];
	_ =	sdelay $0x4  }
0x6e: {  	vm4 =	vgt.s32 v3, $0x0  }
0x6f: {  	vm5 =	vgt.s32 v3, $0xFFFFFFFF;
	v58 =	vnsel vm4, $0x0, v3  }
0x70: {  	v4 =	vshrl.u32 v58, $0x10;
	_ =	sdelay $0x4  }
0x71: {  	[tilespmem:v4+s8+$0x0] =	vst.idx.add.s32.msk vm5, v2  }
0x72: {  	[tilespmem:v4+s9+$0x0] =	vst.idx.add.f32.msk vm5, v3  }
0x73: {  	v3 =	vld [tilespmem:s15+$0x30];
	_ =	sdelay $0x4  }
0x74: {  	vm6 =	vgt.s32 v3, $0x0  }
0x75: {  	vm7 =	vgt.s32 v3, $0xFFFFFFFF;
	v59 =	vnsel vm6, $0x0, v3  }
0x76: {  	v4 =	vshrl.u32 v59, $0x10;
	_ =	sdelay $0x4  }
0x77: {  	[tilespmem:v4+s8+$0x0] =	vst.idx.add.s32.msk vm7, v2  }
0x78: {  	[tilespmem:v4+s9+$0x0] =	vst.idx.add.f32.msk vm7, v3  }
0x79: {  	v3 =	vld [tilespmem:s15+$0x40];
	_ =	sdelay $0x4  }
0x7a: {  	vm8 =	vgt.s32 v3, $0x0  }
0x7b: {  	vm9 =	vgt.s32 v3, $0xFFFFFFFF;
	v60 =	vnsel vm8, $0x0, v3  }
0x7c: {  	v4 =	vshrl.u32 v60, $0x10;
	_ =	sdelay $0x4  }
0x7d: {  	[tilespmem:v4+s8+$0x0] =	vst.idx.add.s32.msk vm9, v2  }
0x7e: {  	[tilespmem:v4+s9+$0x0] =	vst.idx.add.f32.msk vm9, v3  }
0x7f: {  	v3 =	vld [tilespmem:s15+$0x50];
	_ =	sdelay $0x4  }
0x80: {  	vm10 =	vgt.s32 v3, $0x0  }
0x81: {  	vm11 =	vgt.s32 v3, $0xFFFFFFFF;
	v61 =	vnsel vm10, $0x0, v3  }
0x82: {  	v4 =	vshrl.u32 v61, $0x10;
	_ =	sdelay $0x4  }
0x83: {  	[tilespmem:v4+s8+$0x0] =	vst.idx.add.s32.msk vm11, v2  }
0x84: {  	[tilespmem:v4+s9+$0x0] =	vst.idx.add.f32.msk vm11, v3  }
0x85: {  	v3 =	vld [tilespmem:s15+$0x60];
	_ =	sdelay $0x4  }
0x86: {  	vm12 =	vgt.s32 v3, $0x0  }
0x87: {  	vm13 =	vgt.s32 v3, $0xFFFFFFFF;
	v62 =	vnsel vm12, $0x0, v3  }
0x88: {  	v4 =	vshrl.u32 v62, $0x10;
	_ =	sdelay $0x4  }
0x89: {  	[tilespmem:v4+s8+$0x0] =	vst.idx.add.s32.msk vm13, v2  }
0x8a: {  	[tilespmem:v4+s9+$0x0] =	vst.idx.add.f32.msk vm13, v3  }
0x8b: {  	v3 =	vld [tilespmem:s15+$0x70];
	_ =	sdelay $0x4  }
0x8c: {  	vm14 =	vgt.s32 v3, $0x0  }
0x8d: {  	vm15 =	vgt.s32 v3, $0xFFFFFFFF;
	v63 =	vnsel vm14, $0x0, v3  }
0x8e: {  	s14 =	sadd.s32 $0x10, s14;
	v4 =	vshrl.u32 v63, $0x10  }
0x8f: {  	p0 =	slt.u32 s14, $0x870  }
.Ltmp1:
0x90: {  	_ = 	snop;
	(pc) =	sbr.rel @p0 .LBB2_4-.Ltmp1, $3  }
0x91: {  	_ =	sdelay $0x1  }
0x92: {  	[tilespmem:v4+s8+$0x0] =	vst.idx.add.s32.msk vm15, v2  }
0x93: {  	s15 =	sadd.s32 $0x100, s15;
	[tilespmem:v4+s9+$0x0] =	vst.idx.add.f32.msk vm15, v3  }
0x94: {  	v3 =	vld [tilespmem:$0x8800];
	_ =	sdelay $0x4  }
0x95: {  	vm0 =	vgt.s32 v3, $0x0  }
0x96: {  	vm1 =	vgt.s32 v3, $0xFFFFFFFF;
	v4 =	vnsel vm0, $0x0, v3  }
0x97: {  	v4 =	vshrl.u32 v4, $0x10;
	_ =	sdelay $0x4  }
0x98: {  	[tilespmem:v4+s8+$0x0] =	vst.idx.add.s32.msk vm1, v2  }
0x99: {  	[tilespmem:v4+s9+$0x0] =	vst.idx.add.f32.msk vm1, v3  }
0x9a: {  	v3 =	vld [tilespmem:$0x8810];
	_ =	sdelay $0x4  }
0x9b: {  	vm4 =	vgt.s32 v3, $0x0  }
0x9c: {  	vm5 =	vgt.s32 v3, $0xFFFFFFFF;
	v58 =	vnsel vm4, $0x0, v3  }
0x9d: {  	v4 =	vshrl.u32 v58, $0x10;
	_ =	sdelay $0x4  }
0x9e: {  	[tilespmem:v4+s8+$0x0] =	vst.idx.add.s32.msk vm5, v2  }
0x9f: {  	[tilespmem:v4+s9+$0x0] =	vst.idx.add.f32.msk vm5, v3  }
0xa0: {  	v3 =	vld [tilespmem:$0x8820];
	_ =	sdelay $0x4  }
0xa1: {  	vm6 =	vgt.s32 v3, $0x0  }
0xa2: {  	vm7 =	vgt.s32 v3, $0xFFFFFFFF;
	v59 =	vnsel vm6, $0x0, v3  }
0xa3: {  	v4 =	vshrl.u32 v59, $0x10;
	_ =	sdelay $0x4  }
0xa4: {  	[tilespmem:v4+s8+$0x0] =	vst.idx.add.s32.msk vm7, v2  }
0xa5: {  	[tilespmem:v4+s9+$0x0] =	vst.idx.add.f32.msk vm7, v3  }
0xa6: {  	v3 =	vld [tilespmem:$0x8830];
	_ =	sdelay $0x4  }
0xa7: {  	vm8 =	vgt.s32 v3, $0x0  }
0xa8: {  	vm9 =	vgt.s32 v3, $0xFFFFFFFF;
	v60 =	vnsel vm8, $0x0, v3  }
0xa9: {  	v4 =	vshrl.u32 v60, $0x10;
	_ =	sdelay $0x4  }
0xaa: {  	[tilespmem:v4+s8+$0x0] =	vst.idx.add.s32.msk vm9, v2  }
0xab: {  	[tilespmem:v4+s9+$0x0] =	vst.idx.add.f32.msk vm9, v3  }
0xac: {  	v3 =	vld [tilespmem:$0x8840];
	_ =	sdelay $0x4  }
0xad: {  	vm10 =	vgt.s32 v3, $0x0  }
0xae: {  	vm11 =	vgt.s32 v3, $0xFFFFFFFF;
	v61 =	vnsel vm10, $0x0, v3  }
0xaf: {  	v4 =	vshrl.u32 v61, $0x10;
	_ =	sdelay $0x4  }
0xb0: {  	[tilespmem:v4+s8+$0x0] =	vst.idx.add.s32.msk vm11, v2  }
0xb1: {  	[tilespmem:v4+s9+$0x0] =	vst.idx.add.f32.msk vm11, v3  }
0xb2: {  	v3 =	vld [tilespmem:$0x8850];
	_ =	sdelay $0x4  }
0xb3: {  	vm12 =	vgt.s32 v3, $0x0  }
0xb4: {  	vm13 =	vgt.s32 v3, $0xFFFFFFFF;
	v62 =	vnsel vm12, $0x0, v3  }
0xb5: {  	v4 =	vshrl.u32 v62, $0x10;
	_ =	sdelay $0x4  }
0xb6: {  	[tilespmem:v4+s8+$0x0] =	vst.idx.add.s32.msk vm13, v2  }
0xb7: {  	[tilespmem:v4+s9+$0x0] =	vst.idx.add.f32.msk vm13, v3  }
0xb8: {  	v3 =	vld [tilespmem:$0x8860];
	_ =	sdelay $0x4  }
0xb9: {  	vm14 =	vgt.s32 v3, $0x0  }
0xba: {  	vm15 =	vgt.s32 v3, $0xFFFFFFFF;
	v63 =	vnsel vm14, $0x0, v3  }
0xbb: {  	v4 =	vshrl.u32 v63, $0x10;
	_ =	sdelay $0x4  }
0xbc: {  	[tilespmem:v4+s8+$0x0] =	vst.idx.add.s32.msk vm15, v2  }
0xbd: {  	[tilespmem:v4+s9+$0x0] =	vst.idx.add.f32.msk vm15, v3  }
0xbe: {  	[hbm4b:s4+s10] =	stream.strided.scatter [tilespmem:s8], [sflag:$0x2], $0x8000, s11, s10, $0x38;
	[tilespmem:$0x18880] =	vst v63  }
0xbf: {  	s13 =	sadd.s32 $0x1, s13;
	_ =	swait.ge [sflag:s12], $0x8000  }
0xc0: {  	p0 =	sne.s32 s13, s6;
	[sflag:s12] =	ssyncset.done $0x0  }
.Ltmp2:
0xc1: {  	[sflag:s12] =	ssyncadd.s32 $0xFFFF8000;
	(pc) =	sbr.rel @p0 .LBB2_1-.Ltmp2, $4  }
0xc2: {  	[hbm4b:s5+s10] =	stream.strided.scatter [tilespmem:s9], [sflag:$0x2], $0x8000, s11, s10, $0x38;
	[tilespmem:$0x18880] =	vst v63  }
0xc3: {  	_ =	swait.ge [sflag:s12], $0x8000  }
0xc4: {  	[sflag:s12] =	ssyncset.done $0x0  }
0xc5: {  	[sflag:s12] =	ssyncadd.s32 $0xFFFF8000  }
0xc6: {  	_ =	sfence.sel $0x180000  }
0xc7: {  	[bflag:$0x0] =	sbarrier.arrive $0xFFFF  }
0xc8: {  	p0 =	sne.s32 s0, $0x0;
	_ =	strace $0x90000047  }
0xc9: {  	s0 =	sadd.s32 @!p0 $0x100000, s1;
	[bflag:$0x2] =	sbarrier.arrive $0xFFFF  }
0xca: {  	[sflag:s0] =	ssyncadd.tile.s32 @!p0 $0x1;
	_ =	shalt  }
.Lfunc_end2:
_tile_overlayer_lowered:
.L_overlay_start_2:
0xcb: {  	(tag) =	ssettag $0x2  }
0xcc: {  	s0 =	rddreg [dreg:$0x0];
	s2 =	stileid.u32  }
0xcd: {  	s1 =	rddreg [dreg:$0x1];
	p0 =	sne.s32 s2, $0x0  }
0xce: {  	s3 =	rddreg [dreg:$0x2];
	[bflag:$0x3] =	sbarrier.arrive $0xFFFF;
	s2 =	simm.s32 @!p0 $0x1C02  }
0xcf: {  	[timem:s3], [sflag:s2] =	dma.local @!p0 [hbm:s0], s1  }
0xd0: {  	s0 =	simm.s32 @!p0 $0x2  }
0xd1: {  	_ =	swait.ge @!p0 [sflag:s0], s1  }
0xd2: {  	s1 =	ssub.s32 @!p0 $0x0, s1;
	[sflag:s0] =	ssyncset.done @!p0 $0x0  }
0xd3: {  	[sflag:s0] =	ssyncadd.s32 @!p0 s1  }
0xd4: {  	[bflag:$0x3] =	sbarrier.arrive $0xFFFF  }
0xd5: {  	_ =	shalt  }

</sc_bundles>
